<compile_context>
chip_gen: v7x
topology: tpu7x:2x2x1
jax: 0.10.2.dev20260603
libtpu: 0.0.44.dev20260713+nightly
codegen_flags: <defaults>
</compile_context>

<pallas_src>
import functools

import jax
import jax.numpy as jnp
from jax import lax
from jax.experimental import pallas as pl
from jax.experimental.pallas import tpu as pltpu
from jax.experimental.pallas import tpu_sc as plsc

NC = 2
NS = 16
NW = NC * NS



def _agg_body(per_w, gidx_hbm, dst_hbm, table_hbm, zn_hbm, parts_out,
              idx_v, didx_v, idx16, didx16, rows_v, rows16, sem, acc):
    cid = lax.axis_index("c")
    sid = lax.axis_index("s")
    w = cid * NS + sid
    base = w * per_w
    n_rows = acc.shape[0]
    stripe = (n_rows // NS) & ~7
    rem = n_rows - stripe * NS

    pltpu.sync_copy(zn_hbm.at[pl.ds(0, stripe)],
                    acc.at[pl.ds(sid * stripe, stripe)])
    if rem:
        @pl.when(sid == NS - 1)
        def _():
            pltpu.sync_copy(zn_hbm.at[pl.ds(stripe, rem)],
                            acc.at[pl.ds(stripe * NS, rem)])
    plsc.subcore_barrier()

    nfull = per_w // 128

    def chunk(i, _):
        off = pl.multiple_of(base + i * 128, 16)
        pltpu.sync_copy(gidx_hbm.at[pl.ds(off, 128)], idx_v)
        da = pltpu.async_copy(table_hbm.at[idx_v], rows_v, sem)
        pltpu.sync_copy(dst_hbm.at[pl.ds(off, 128)], didx_v)
        da.wait()
        pltpu.sync_copy(rows_v, acc.at[didx_v], add=True)
        return 0

    lax.fori_loop(0, nfull, chunk, 0)

    tail = per_w - nfull * 128
    if tail:
        off = pl.multiple_of(base + nfull * 128, 16)
        pltpu.sync_copy(gidx_hbm.at[pl.ds(off, tail)], idx16)
        dt = pltpu.async_copy(table_hbm.at[idx16], rows16, sem)
        pltpu.sync_copy(dst_hbm.at[pl.ds(off, tail)], didx16)
        dt.wait()
        pltpu.sync_copy(rows16, acc.at[didx16], add=True)

    plsc.subcore_barrier()
    poff = pl.multiple_of(cid * n_rows + sid * stripe, 8)
    pltpu.sync_copy(acc.at[pl.ds(sid * stripe, stripe)],
                    parts_out.at[pl.ds(poff, stripe)])
    if rem:
        @pl.when(sid == NS - 1)
        def _():
            poff2 = pl.multiple_of(cid * n_rows + stripe * NS, 8)
            pltpu.sync_copy(acc.at[pl.ds(stripe * NS, rem)],
                            parts_out.at[pl.ds(poff2, rem)])



def _gidx_tc(n_nodes, per_w, et_ref, src_ref, g_ref, d2_ref):
    et = et_ref[...]
    shape = et.shape
    pos = (lax.broadcasted_iota(jnp.int32, shape, 0) * shape[1]
           + lax.broadcasted_iota(jnp.int32, shape, 1))
    g_ref[...] = et * n_nodes + src_ref[...]
    d2_ref[...] = et + 8 * ((pos // per_w) % NS)


def _wmix_tc(comp_ref, vflat_ref, o_ref):
    o_ref[...] = jnp.dot(comp_ref[...], vflat_ref[...],
                         preferred_element_type=jnp.float32)


def _proj_tc(x_ref, w_ref, o_ref):
    o_ref[0] = jnp.dot(x_ref[...], w_ref[0],
                       preferred_element_type=jnp.float32)


def _combine_tc(p_ref, b_ref, o_ref):
    o_ref[...] = jax.nn.relu(p_ref[0] + p_ref[1] + b_ref[...])


def _treduce_tc(p_ref, o_ref):
    v = p_ref[...]
    acc = v[0, 0:8]
    for g in range(NS):
        for c in range(NC):
            if c == 0 and g == 0:
                continue
            acc = acc + v[c, 8 * g:8 * g + 8]
    o_ref[...] = acc


def _final_tc(n_nodes, t_ref, comp2t_ref, v2flat_ref, b2_ref, fcw_ref,
              fcb_ref, o_ref):
    u = jnp.dot(comp2t_ref[...], t_ref[...],
                preferred_element_type=jnp.float32)
    s = jnp.dot(u.reshape(1, -1), v2flat_ref[...],
                preferred_element_type=jnp.float32)
    hg = s * (1.0 / n_nodes) + b2_ref[...]
    o_ref[...] = jnp.dot(hg, fcw_ref[...],
                         preferred_element_type=jnp.float32) + fcb_ref[...]



def kernel(features, edge_index, etypes, V1, comp1, b1, V2, comp2, b2,
           fcW, fcb):
    n, din = features.shape
    e = etypes.shape[0]
    r = V1.shape[0]
    h = V1.shape[2]
    out_d = V2.shape[2]
    f32 = jnp.float32

    src = edge_index[0]
    dst = edge_index[1]

    per_w = e // NW
    assert per_w * NW == e and n % NS == 0
    bins = r * n

    mesh = plsc.VectorSubcoreMesh(core_axis_name="c", subcore_axis_name="s",
                                  num_cores=NC, num_subcores=NS)

    zn_stripe = (n // NS) & ~7
    zn = jnp.zeros((zn_stripe + (n - zn_stripe * NS), h), f32)

    def sc_agg(gidx_a, dst_a, table, acc_rows):
        return pl.kernel(
            functools.partial(_agg_body, per_w),
            out_type=jax.ShapeDtypeStruct((NC * acc_rows, h), f32),
            mesh=mesh,
            scratch_types=(
                pltpu.VMEM((128,), jnp.int32),
                pltpu.VMEM((128,), jnp.int32),
                pltpu.VMEM((16,), jnp.int32),
                pltpu.VMEM((16,), jnp.int32),
                pltpu.VMEM((128, h), f32),
                pltpu.VMEM((16, h), f32),
                pltpu.SemaphoreType.DMA,
                pltpu.VMEM_SHARED((acc_rows, h), f32),
            ),
        )(gidx_a, dst_a, table, zn)

    erows = 320
    ecols = e // erows
    gidx, dst2 = pl.pallas_call(
        functools.partial(_gidx_tc, n, per_w),
        grid=(1,),
        in_specs=[pl.BlockSpec((erows, ecols), lambda j: (0, 0)),
                  pl.BlockSpec((erows, ecols), lambda j: (0, 0))],
        out_specs=[pl.BlockSpec((erows, ecols), lambda j: (0, 0)),
                   pl.BlockSpec((erows, ecols), lambda j: (0, 0))],
        out_shape=(jax.ShapeDtypeStruct((erows, ecols), jnp.int32),
                   jax.ShapeDtypeStruct((erows, ecols), jnp.int32)),
    )(etypes.reshape(erows, ecols), src.reshape(erows, ecols))
    gidx = gidx.reshape(e)
    dst2 = dst2.reshape(e)

    w1 = pl.pallas_call(
        _wmix_tc,
        out_shape=jax.ShapeDtypeStruct((r, din * h), f32),
    )(comp1, V1.reshape(r, din * h))

    nblk = 1000
    hs1 = pl.pallas_call(
        _proj_tc,
        grid=(r, n // nblk),
        in_specs=[
            pl.BlockSpec((nblk, din), lambda ri, j: (j, 0)),
            pl.BlockSpec((1, din, h), lambda ri, j: (ri, 0, 0)),
        ],
        out_specs=pl.BlockSpec((1, nblk, h), lambda ri, j: (ri, j, 0)),
        out_shape=jax.ShapeDtypeStruct((r, n, h), f32),
    )(features, w1.reshape(r, din, h))

    parts = sc_agg(gidx, dst, hs1.reshape(bins, h), n).reshape(NC, n, h)

    h1 = pl.pallas_call(
        _combine_tc,
        grid=(n // nblk,),
        in_specs=[
            pl.BlockSpec((NC, nblk, h), lambda j: (0, j, 0)),
            pl.BlockSpec((1, h), lambda j: (0, 0)),
        ],
        out_specs=pl.BlockSpec((nblk, h), lambda j: (j, 0)),
        out_shape=jax.ShapeDtypeStruct((n, h), f32),
    )(parts, b1.reshape(1, h))

    parts2 = sc_agg(src, dst2, h1, 8 * NS).reshape(NC, 8 * NS, h)

    t = pl.pallas_call(
        _treduce_tc,
        grid=(1,),
        in_specs=[pl.BlockSpec((NC, 8 * NS, h), lambda j: (0, 0, 0))],
        out_specs=pl.BlockSpec((r, h), lambda j: (0, 0)),
        out_shape=jax.ShapeDtypeStruct((r, h), f32),
    )(parts2)

    out = pl.pallas_call(
        functools.partial(_final_tc, n),
        out_shape=jax.ShapeDtypeStruct((1, fcW.shape[1]), f32),
    )(t, comp2.T, V2.reshape(r * h, out_d), b2.reshape(1, out_d),
      fcW, fcb.reshape(1, fcW.shape[1]))

    return out

# --- scband reference (transcript-rebuilt; emitter-appended) ---
"""Pipeline reference for scband-rgcn-28853590295095 (READ-ONLY COPY).

The authoritative reference and input builder live on the scoring server;
editing this copy changes nothing except your own understanding.
"""

import jax, jax.numpy as jnp
import numpy as np

N = 10000
E = 320000
R = 8
IN = 128
H = 128
OUT = 128


def setup_inputs(seed: int = 0) -> dict:
    key = jax.random.key(seed)
    ks = jax.random.split(key, 12)
    features = jax.random.normal(ks[0], (N, IN), dtype=jnp.float32)
    edge_index = jax.random.randint(ks[1], (2, E), 0, N, dtype=jnp.int32)
    etypes = jax.random.randint(ks[2], (E,), 0, R, dtype=jnp.int32)
    # RelGraphConv layer 1 (basis regularizer, num_bases=R): bases V1 [R, IN, H], coeffs comp1 [R, R], bias b1 [H]
    V1 = jax.random.normal(ks[3], (R, IN, H), dtype=jnp.float32) * (1.0 / np.sqrt(IN))
    comp1 = jax.random.normal(ks[4], (R, R), dtype=jnp.float32) * (1.0 / np.sqrt(R))
    b1 = jnp.zeros((H,), dtype=jnp.float32)
    # RelGraphConv layer 2
    V2 = jax.random.normal(ks[5], (R, H, OUT), dtype=jnp.float32) * (1.0 / np.sqrt(H))
    comp2 = jax.random.normal(ks[6], (R, R), dtype=jnp.float32) * (1.0 / np.sqrt(R))
    b2 = jnp.zeros((OUT,), dtype=jnp.float32)
    # final classifier fc: Linear(OUT, 2)
    fcW = jax.random.normal(ks[7], (OUT, 2), dtype=jnp.float32) * (1.0 / np.sqrt(OUT))
    fcb = jnp.zeros((2,), dtype=jnp.float32)
    return {"features": features, "edge_index": edge_index, "etypes": etypes,
            "V1": V1, "comp1": comp1, "b1": b1,
            "V2": V2, "comp2": comp2, "b2": b2,
            "fcW": fcW, "fcb": fcb}


def reference(features, edge_index, etypes, V1, comp1, b1, V2, comp2, b2, fcW, fcb):
    src = edge_index[0]
    dst = edge_index[1]

    def rel_graph_conv(x, V, comp, bias):
        # basis decomposition: W_r = sum_b comp[r, b] * V[b]
        W = jnp.einsum('rb,bio->rio', comp, V)          # [R, in, out]
        # low-mem path: project all nodes by every relation weight
        hs = jnp.einsum('ni,rio->rno', x, W)            # [R, N, out]
        # per-edge message: h_src projected by its edge's relation weight
        msg = hs[etypes, src]                            # [E, out] (gather)
        # sum aggregation into destination nodes (scatter-add)
        agg = jax.ops.segment_sum(msg, dst, num_segments=x.shape[0])
        return agg + bias

    h = jax.nn.relu(rel_graph_conv(features, V1, comp1, b1))
    h = rel_graph_conv(h, V2, comp2, b2)
    # F.dropout with training=False (eval) is identity
    # dgl.mean_nodes over a single graph -> mean over all nodes, batch dim 1
    hg = jnp.mean(h, axis=0, keepdims=True)             # [1, OUT]
    out = hg @ fcW + fcb                                # [1, 2]
    return out

if __name__ == "__main__":
    import jax
    _d = setup_inputs()
    print(jax.jit(kernel)(*tuple(_d.values())))

</pallas_src>

<mosaic_0001>
#map = affine_map<(d0, d1) -> (0)>
#map1 = affine_map<(d0, d1) -> (0, 0)>
module attributes {stable_mosaic.version = 14 : i64} {
  func.func @_agg_body(%arg0: i32, %arg1: i32, %arg2: memref<320000xi32, #tpu.memory_space<hbm>>, %arg3: memref<320000xi32, #tpu.memory_space<hbm>>, %arg4: memref<80000x128xf32, #tpu.memory_space<hbm>>, %arg5: memref<640x128xf32, #tpu.memory_space<hbm>>, %arg6: memref<20000x128xf32, #tpu.memory_space<hbm>>, %arg7: memref<128xi32, #tpu.memory_space<vmem>>, %arg8: memref<128xi32, #tpu.memory_space<vmem>>, %arg9: memref<16xi32, #tpu.memory_space<vmem>>, %arg10: memref<16xi32, #tpu.memory_space<vmem>>, %arg11: memref<128x128xf32, #tpu.memory_space<vmem>>, %arg12: memref<16x128xf32, #tpu.memory_space<vmem>>, %arg13: memref<!tpu.dma_semaphore, #tpu.memory_space<semaphore_mem>>, %arg14: memref<10000x128xf32, #tpu.memory_space<vmem_shared>>) attributes {dimension_semantics = [#tpu.dimension_semantics<core_parallel>, #tpu.dimension_semantics<subcore_parallel>], iteration_bounds = array<i64: 2, 16>, scalar_prefetch = 0 : i64, scratch_operands = 8 : i64, tpu.core_type = #tpu.core_type<sc_vector_subcore>, window_params = [{transform_indices = #map}, {transform_indices = #map}, {transform_indices = #map1}, {transform_indices = #map1}, {transform_indices = #map1}]} {
    %mul3A = arith.constant 16 : i32
    %mul3A_0 = arith.muli %arg0, %mul3A : i32
    %add3A = arith.addi %mul3A_0, %arg1 : i32
    %mul3A_1 = arith.constant 10000 : i32
    %mul3A_2 = arith.muli %add3A, %mul3A_1 : i32
    %mul3A_3 = arith.constant 624 : i32
    %mul3A_4 = arith.muli %arg1, %mul3A_3 : i32
    "tpu.region"() ({
      %run_scoped3A = tpu.sem_alloc : memref<!tpu.dma_semaphore, #tpu.memory_space<semaphore_mem>>
      %dma_start3A_33 = arith.constant 0 : i32
      %dma_start3A_34 = tpu.memref_slice %arg14[%mul3A_4, %dma_start3A_33] : memref<10000x128xf32, #tpu.memory_space<vmem_shared>> -> memref<624x128xf32, #tpu.memory_space<vmem_shared>>
      %dma_start3A_35 = arith.constant 0 : i32
      %dma_start3A_36 = arith.constant 0 : i32
      %dma_start3A_37 = tpu.memref_slice %arg5[%dma_start3A_35, %dma_start3A_36] : memref<640x128xf32, #tpu.memory_space<hbm>> -> memref<624x128xf32, #tpu.memory_space<hbm>>
      tpu.enqueue_dma source(%dma_start3A_37 : memref<624x128xf32, #tpu.memory_space<hbm>>) target(%dma_start3A_34 : memref<624x128xf32, #tpu.memory_space<vmem_shared>>) target_semaphore(%run_scoped3A : memref<!tpu.dma_semaphore, #tpu.memory_space<semaphore_mem>>)
      %dma_wait3A_38 = arith.constant 0 : i32
      %dma_wait3A_39 = tpu.memref_slice %arg14[%mul3A_4, %dma_wait3A_38] : memref<10000x128xf32, #tpu.memory_space<vmem_shared>> -> memref<624x128xf32, #tpu.memory_space<vmem_shared>>
      %dma_wait3A_40 = arith.constant 0 : i32
      %dma_wait3A_41 = arith.constant 0 : i32
      %dma_wait3A_42 = tpu.memref_slice %arg5[%dma_wait3A_40, %dma_wait3A_41] : memref<640x128xf32, #tpu.memory_space<hbm>> -> memref<624x128xf32, #tpu.memory_space<hbm>>
      tpu.wait_dma2 semaphore(%run_scoped3A : memref<!tpu.dma_semaphore, #tpu.memory_space<semaphore_mem>>) src(%dma_wait3A_42 : memref<624x128xf32, #tpu.memory_space<hbm>>) dst(%dma_wait3A_39 : memref<624x128xf32, #tpu.memory_space<vmem_shared>>)
      tpu.yield
    }) : () -> ()
    %eq3A = arith.constant 15 : i32
    %eq3A_5 = arith.cmpi eq, %arg1, %eq3A : i32
    %convert_element_type3A = arith.extui %eq3A_5 : i1 to i32
    %cond3A = arith.constant 0 : i32
    %cond3A_6 = arith.cmpi ne, %convert_element_type3A, %cond3A : i32
    scf.if %cond3A_6 {
      "tpu.region"() ({
        %run_scoped3A = tpu.sem_alloc : memref<!tpu.dma_semaphore, #tpu.memory_space<semaphore_mem>>
        %dma_start3A_33 = arith.constant 9984 : i32
        %dma_start3A_34 = arith.constant 0 : i32
        %dma_start3A_35 = tpu.memref_slice %arg14[%dma_start3A_33, %dma_start3A_34] : memref<10000x128xf32, #tpu.memory_space<vmem_shared>> -> memref<16x128xf32, #tpu.memory_space<vmem_shared>>
        %dma_start3A_36 = arith.constant 624 : i32
        %dma_start3A_37 = arith.constant 0 : i32
        %dma_start3A_38 = tpu.memref_slice %arg5[%dma_start3A_36, %dma_start3A_37] : memref<640x128xf32, #tpu.memory_space<hbm>> -> memref<16x128xf32, #tpu.memory_space<hbm>>
        tpu.enqueue_dma source(%dma_start3A_38 : memref<16x128xf32, #tpu.memory_space<hbm>>) target(%dma_start3A_35 : memref<16x128xf32, #tpu.memory_space<vmem_shared>>) target_semaphore(%run_scoped3A : memref<!tpu.dma_semaphore, #tpu.memory_space<semaphore_mem>>)
        %dma_wait3A_39 = arith.constant 9984 : i32
        %dma_wait3A_40 = arith.constant 0 : i32
        %dma_wait3A_41 = tpu.memref_slice %arg14[%dma_wait3A_39, %dma_wait3A_40] : memref<10000x128xf32, #tpu.memory_space<vmem_shared>> -> memref<16x128xf32, #tpu.memory_space<vmem_shared>>
        %dma_wait3A_42 = arith.constant 624 : i32
        %dma_wait3A_43 = arith.constant 0 : i32
        %dma_wait3A_44 = tpu.memref_slice %arg5[%dma_wait3A_42, %dma_wait3A_43] : memref<640x128xf32, #tpu.memory_space<hbm>> -> memref<16x128xf32, #tpu.memory_space<hbm>>
        tpu.wait_dma2 semaphore(%run_scoped3A : memref<!tpu.dma_semaphore, #tpu.memory_space<semaphore_mem>>) src(%dma_wait3A_44 : memref<16x128xf32, #tpu.memory_space<hbm>>) dst(%dma_wait3A_41 : memref<16x128xf32, #tpu.memory_space<vmem_shared>>)
        tpu.yield
      }) : () -> ()
    } else {
    }
    %barrier3A = arith.constant 0 : index
    tpu.barrier barrier_id(%barrier3A)
    %scan3A = arith.constant 0 : i32
    %scan3A_7 = arith.constant 0 : i32
    %scan3A_8 = arith.constant 78 : i32
    %scan3A_9 = arith.addi %scan3A_7, %scan3A_8 : i32
    %scan3A_10 = arith.constant 1 : i32
    %scan3A_11 = scf.for %scan3A_33 = %scan3A_7 to %scan3A_9 step %scan3A_10 iter_args(%scan3A_34 = %scan3A) -> (i32)  : i32 {
      %mul3A_35 = arith.constant 128 : i32
      %mul3A_36 = arith.muli %scan3A_33, %mul3A_35 : i32
      %add3A_37 = arith.addi %mul3A_2, %mul3A_36 : i32
      %multiple_of3A_38 = tpu.assume_multiple %add3A_37, 16 : i32
      "tpu.region"() ({
        %run_scoped3A = tpu.sem_alloc : memref<!tpu.dma_semaphore, #tpu.memory_space<semaphore_mem>>
        %dma_start3A_46 = tpu.memref_slice %arg2[%multiple_of3A_38] : memref<320000xi32, #tpu.memory_space<hbm>> -> memref<128xi32, #tpu.memory_space<hbm>>
        %dma_start3A_47 = tpu.memref_slice %arg2[%multiple_of3A_38] : memref<320000xi32, #tpu.memory_space<hbm>> -> memref<128xi32, #tpu.memory_space<hbm>>
        tpu.enqueue_dma source(%dma_start3A_47 : memref<128xi32, #tpu.memory_space<hbm>>) target(%arg7 : memref<128xi32, #tpu.memory_space<vmem>>) target_semaphore(%run_scoped3A : memref<!tpu.dma_semaphore, #tpu.memory_space<semaphore_mem>>)
        %dma_wait3A_48 = tpu.memref_slice %arg2[%multiple_of3A_38] : memref<320000xi32, #tpu.memory_space<hbm>> -> memref<128xi32, #tpu.memory_space<hbm>>
        %dma_wait3A_49 = tpu.memref_slice %arg2[%multiple_of3A_38] : memref<320000xi32, #tpu.memory_space<hbm>> -> memref<128xi32, #tpu.memory_space<hbm>>
        tpu.wait_dma2 semaphore(%run_scoped3A : memref<!tpu.dma_semaphore, #tpu.memory_space<semaphore_mem>>) src(%dma_wait3A_49 : memref<128xi32, #tpu.memory_space<hbm>>) dst(%arg7 : memref<128xi32, #tpu.memory_space<vmem>>)
        tpu.yield
      }) : () -> ()
      %dma_start3A_39 = arith.constant 0 : i32
      %dma_start3A_40 = arith.constant 0 : i32
      %dma_start3A_41 = tpu.memref_slice %arg4[%dma_start3A_39, %dma_start3A_40] : memref<80000x128xf32, #tpu.memory_space<hbm>> -> memref<80000x128xf32, #tpu.memory_space<hbm>>
      tpu.enqueue_indirect_dma source(%dma_start3A_41 : memref<80000x128xf32, #tpu.memory_space<hbm>>) target(%arg11 : memref<128x128xf32, #tpu.memory_space<vmem>>) offsets(%arg7 : memref<128xi32, #tpu.memory_space<vmem>>) semaphore(%arg13 : memref<!tpu.dma_semaphore, #tpu.memory_space<semaphore_mem>>)
      "tpu.region"() ({
        %run_scoped3A = tpu.sem_alloc : memref<!tpu.dma_semaphore, #tpu.memory_space<semaphore_mem>>
        %dma_start3A_46 = tpu.memref_slice %arg3[%multiple_of3A_38] : memref<320000xi32, #tpu.memory_space<hbm>> -> memref<128xi32, #tpu.memory_space<hbm>>
        %dma_start3A_47 = tpu.memref_slice %arg3[%multiple_of3A_38] : memref<320000xi32, #tpu.memory_space<hbm>> -> memref<128xi32, #tpu.memory_space<hbm>>
        tpu.enqueue_dma source(%dma_start3A_47 : memref<128xi32, #tpu.memory_space<hbm>>) target(%arg8 : memref<128xi32, #tpu.memory_space<vmem>>) target_semaphore(%run_scoped3A : memref<!tpu.dma_semaphore, #tpu.memory_space<semaphore_mem>>)
        %dma_wait3A_48 = tpu.memref_slice %arg3[%multiple_of3A_38] : memref<320000xi32, #tpu.memory_space<hbm>> -> memref<128xi32, #tpu.memory_space<hbm>>
        %dma_wait3A_49 = tpu.memref_slice %arg3[%multiple_of3A_38] : memref<320000xi32, #tpu.memory_space<hbm>> -> memref<128xi32, #tpu.memory_space<hbm>>
        tpu.wait_dma2 semaphore(%run_scoped3A : memref<!tpu.dma_semaphore, #tpu.memory_space<semaphore_mem>>) src(%dma_wait3A_49 : memref<128xi32, #tpu.memory_space<hbm>>) dst(%arg8 : memref<128xi32, #tpu.memory_space<vmem>>)
        tpu.yield
      }) : () -> ()
      %dma_wait3A_42 = arith.constant 0 : i32
      %dma_wait3A_43 = arith.constant 0 : i32
      %dma_wait3A_44 = tpu.memref_slice %arg4[%dma_wait3A_42, %dma_wait3A_43] : memref<80000x128xf32, #tpu.memory_space<hbm>> -> memref<80000x128xf32, #tpu.memory_space<hbm>>
      tpu.wait_indirect_dma semaphore(%arg13 : memref<!tpu.dma_semaphore, #tpu.memory_space<semaphore_mem>>) src(%dma_wait3A_44 : memref<80000x128xf32, #tpu.memory_space<hbm>>) dst(%arg11 : memref<128x128xf32, #tpu.memory_space<vmem>>)
      "tpu.region"() ({
        %run_scoped3A = tpu.sem_alloc : memref<!tpu.dma_semaphore, #tpu.memory_space<semaphore_mem>>
        %dma_start3A_46 = arith.constant 0 : i32
        %dma_start3A_47 = arith.constant 0 : i32
        %dma_start3A_48 = tpu.memref_slice %arg14[%dma_start3A_46, %dma_start3A_47] : memref<10000x128xf32, #tpu.memory_space<vmem_shared>> -> memref<10000x128xf32, #tpu.memory_space<vmem_shared>>
        tpu.enqueue_indirect_dma source(%arg11 : memref<128x128xf32, #tpu.memory_space<vmem>>) target(%dma_start3A_48 : memref<10000x128xf32, #tpu.memory_space<vmem_shared>>) offsets(%arg8 : memref<128xi32, #tpu.memory_space<vmem>>) semaphore(%run_scoped3A : memref<!tpu.dma_semaphore, #tpu.memory_space<semaphore_mem>>) {add = true}
        %dma_wait3A_49 = arith.constant 0 : i32
        %dma_wait3A_50 = arith.constant 0 : i32
        %dma_wait3A_51 = tpu.memref_slice %arg14[%dma_wait3A_49, %dma_wait3A_50] : memref<10000x128xf32, #tpu.memory_space<vmem_shared>> -> memref<10000x128xf32, #tpu.memory_space<vmem_shared>>
        tpu.wait_indirect_dma semaphore(%run_scoped3A : memref<!tpu.dma_semaphore, #tpu.memory_space<semaphore_mem>>) src(%arg11 : memref<128x128xf32, #tpu.memory_space<vmem>>) dst(%dma_wait3A_51 : memref<10000x128xf32, #tpu.memory_space<vmem_shared>>)
        tpu.yield
      }) : () -> ()
      %scan3A_45 = arith.constant 0 : i32
      scf.yield %scan3A_45 : i32
    }
    %scan3A_12 = arith.constant 78 : i32
    %add3A_13 = arith.constant 9984 : i32
    %add3A_14 = arith.addi %mul3A_2, %add3A_13 : i32
    %multiple_of3A = tpu.assume_multiple %add3A_14, 16 : i32
    "tpu.region"() ({
      %run_scoped3A = tpu.sem_alloc : memref<!tpu.dma_semaphore, #tpu.memory_space<semaphore_mem>>
      %dma_start3A_33 = tpu.memref_slice %arg2[%multiple_of3A] : memref<320000xi32, #tpu.memory_space<hbm>> -> memref<16xi32, #tpu.memory_space<hbm>>
      %dma_start3A_34 = tpu.memref_slice %arg2[%multiple_of3A] : memref<320000xi32, #tpu.memory_space<hbm>> -> memref<16xi32, #tpu.memory_space<hbm>>
      tpu.enqueue_dma source(%dma_start3A_34 : memref<16xi32, #tpu.memory_space<hbm>>) target(%arg9 : memref<16xi32, #tpu.memory_space<vmem>>) target_semaphore(%run_scoped3A : memref<!tpu.dma_semaphore, #tpu.memory_space<semaphore_mem>>)
      %dma_wait3A_35 = tpu.memref_slice %arg2[%multiple_of3A] : memref<320000xi32, #tpu.memory_space<hbm>> -> memref<16xi32, #tpu.memory_space<hbm>>
      %dma_wait3A_36 = tpu.memref_slice %arg2[%multiple_of3A] : memref<320000xi32, #tpu.memory_space<hbm>> -> memref<16xi32, #tpu.memory_space<hbm>>
      tpu.wait_dma2 semaphore(%run_scoped3A : memref<!tpu.dma_semaphore, #tpu.memory_space<semaphore_mem>>) src(%dma_wait3A_36 : memref<16xi32, #tpu.memory_space<hbm>>) dst(%arg9 : memref<16xi32, #tpu.memory_space<vmem>>)
      tpu.yield
    }) : () -> ()
    %dma_start3A = arith.constant 0 : i32
    %dma_start3A_15 = arith.constant 0 : i32
    %dma_start3A_16 = tpu.memref_slice %arg4[%dma_start3A, %dma_start3A_15] : memref<80000x128xf32, #tpu.memory_space<hbm>> -> memref<80000x128xf32, #tpu.memory_space<hbm>>
    tpu.enqueue_indirect_dma source(%dma_start3A_16 : memref<80000x128xf32, #tpu.memory_space<hbm>>) target(%arg12 : memref<16x128xf32, #tpu.memory_space<vmem>>) offsets(%arg9 : memref<16xi32, #tpu.memory_space<vmem>>) semaphore(%arg13 : memref<!tpu.dma_semaphore, #tpu.memory_space<semaphore_mem>>)
    "tpu.region"() ({
      %run_scoped3A = tpu.sem_alloc : memref<!tpu.dma_semaphore, #tpu.memory_space<semaphore_mem>>
      %dma_start3A_33 = tpu.memref_slice %arg3[%multiple_of3A] : memref<320000xi32, #tpu.memory_space<hbm>> -> memref<16xi32, #tpu.memory_space<hbm>>
      %dma_start3A_34 = tpu.memref_slice %arg3[%multiple_of3A] : memref<320000xi32, #tpu.memory_space<hbm>> -> memref<16xi32, #tpu.memory_space<hbm>>
      tpu.enqueue_dma source(%dma_start3A_34 : memref<16xi32, #tpu.memory_space<hbm>>) target(%arg10 : memref<16xi32, #tpu.memory_space<vmem>>) target_semaphore(%run_scoped3A : memref<!tpu.dma_semaphore, #tpu.memory_space<semaphore_mem>>)
      %dma_wait3A_35 = tpu.memref_slice %arg3[%multiple_of3A] : memref<320000xi32, #tpu.memory_space<hbm>> -> memref<16xi32, #tpu.memory_space<hbm>>
      %dma_wait3A_36 = tpu.memref_slice %arg3[%multiple_of3A] : memref<320000xi32, #tpu.memory_space<hbm>> -> memref<16xi32, #tpu.memory_space<hbm>>
      tpu.wait_dma2 semaphore(%run_scoped3A : memref<!tpu.dma_semaphore, #tpu.memory_space<semaphore_mem>>) src(%dma_wait3A_36 : memref<16xi32, #tpu.memory_space<hbm>>) dst(%arg10 : memref<16xi32, #tpu.memory_space<vmem>>)
      tpu.yield
    }) : () -> ()
    %dma_wait3A = arith.constant 0 : i32
    %dma_wait3A_17 = arith.constant 0 : i32
    %dma_wait3A_18 = tpu.memref_slice %arg4[%dma_wait3A, %dma_wait3A_17] : memref<80000x128xf32, #tpu.memory_space<hbm>> -> memref<80000x128xf32, #tpu.memory_space<hbm>>
    tpu.wait_indirect_dma semaphore(%arg13 : memref<!tpu.dma_semaphore, #tpu.memory_space<semaphore_mem>>) src(%dma_wait3A_18 : memref<80000x128xf32, #tpu.memory_space<hbm>>) dst(%arg12 : memref<16x128xf32, #tpu.memory_space<vmem>>)
    "tpu.region"() ({
      %run_scoped3A = tpu.sem_alloc : memref<!tpu.dma_semaphore, #tpu.memory_space<semaphore_mem>>
      %dma_start3A_33 = arith.constant 0 : i32
      %dma_start3A_34 = arith.constant 0 : i32
      %dma_start3A_35 = tpu.memref_slice %arg14[%dma_start3A_33, %dma_start3A_34] : memref<10000x128xf32, #tpu.memory_space<vmem_shared>> -> memref<10000x128xf32, #tpu.memory_space<vmem_shared>>
      tpu.enqueue_indirect_dma source(%arg12 : memref<16x128xf32, #tpu.memory_space<vmem>>) target(%dma_start3A_35 : memref<10000x128xf32, #tpu.memory_space<vmem_shared>>) offsets(%arg10 : memref<16xi32, #tpu.memory_space<vmem>>) semaphore(%run_scoped3A : memref<!tpu.dma_semaphore, #tpu.memory_space<semaphore_mem>>) {add = true}
      %dma_wait3A_36 = arith.constant 0 : i32
      %dma_wait3A_37 = arith.constant 0 : i32
      %dma_wait3A_38 = tpu.memref_slice %arg14[%dma_wait3A_36, %dma_wait3A_37] : memref<10000x128xf32, #tpu.memory_space<vmem_shared>> -> memref<10000x128xf32, #tpu.memory_space<vmem_shared>>
      tpu.wait_indirect_dma semaphore(%run_scoped3A : memref<!tpu.dma_semaphore, #tpu.memory_space<semaphore_mem>>) src(%arg12 : memref<16x128xf32, #tpu.memory_space<vmem>>) dst(%dma_wait3A_38 : memref<10000x128xf32, #tpu.memory_space<vmem_shared>>)
      tpu.yield
    }) : () -> ()
    %barrier3A_19 = arith.constant 0 : index
    tpu.barrier barrier_id(%barrier3A_19)
    %mul3A_20 = arith.constant 10000 : i32
    %mul3A_21 = arith.muli %arg0, %mul3A_20 : i32
    %mul3A_22 = arith.constant 624 : i32
    %mul3A_23 = arith.muli %arg1, %mul3A_22 : i32
    %add3A_24 = arith.addi %mul3A_21, %mul3A_23 : i32
    %multiple_of3A_25 = tpu.assume_multiple %add3A_24, 8 : i32
    %mul3A_26 = arith.constant 624 : i32
    %mul3A_27 = arith.muli %arg1, %mul3A_26 : i32
    "tpu.region"() ({
      %run_scoped3A = tpu.sem_alloc : memref<!tpu.dma_semaphore, #tpu.memory_space<semaphore_mem>>
      %dma_start3A_33 = arith.constant 0 : i32
      %dma_start3A_34 = tpu.memref_slice %arg6[%multiple_of3A_25, %dma_start3A_33] : memref<20000x128xf32, #tpu.memory_space<hbm>> -> memref<624x128xf32, #tpu.memory_space<hbm>>
      %dma_start3A_35 = arith.constant 0 : i32
      %dma_start3A_36 = tpu.memref_slice %arg14[%mul3A_27, %dma_start3A_35] : memref<10000x128xf32, #tpu.memory_space<vmem_shared>> -> memref<624x128xf32, #tpu.memory_space<vmem_shared>>
      tpu.enqueue_dma source(%dma_start3A_36 : memref<624x128xf32, #tpu.memory_space<vmem_shared>>) target(%dma_start3A_34 : memref<624x128xf32, #tpu.memory_space<hbm>>) target_semaphore(%run_scoped3A : memref<!tpu.dma_semaphore, #tpu.memory_space<semaphore_mem>>)
      %dma_wait3A_37 = arith.constant 0 : i32
      %dma_wait3A_38 = tpu.memref_slice %arg6[%multiple_of3A_25, %dma_wait3A_37] : memref<20000x128xf32, #tpu.memory_space<hbm>> -> memref<624x128xf32, #tpu.memory_space<hbm>>
      %dma_wait3A_39 = arith.constant 0 : i32
      %dma_wait3A_40 = tpu.memref_slice %arg14[%mul3A_27, %dma_wait3A_39] : memref<10000x128xf32, #tpu.memory_space<vmem_shared>> -> memref<624x128xf32, #tpu.memory_space<vmem_shared>>
      tpu.wait_dma2 semaphore(%run_scoped3A : memref<!tpu.dma_semaphore, #tpu.memory_space<semaphore_mem>>) src(%dma_wait3A_40 : memref<624x128xf32, #tpu.memory_space<vmem_shared>>) dst(%dma_wait3A_38 : memref<624x128xf32, #tpu.memory_space<hbm>>)
      tpu.yield
    }) : () -> ()
    %eq3A_28 = arith.constant 15 : i32
    %eq3A_29 = arith.cmpi eq, %arg1, %eq3A_28 : i32
    %convert_element_type3A_30 = arith.extui %eq3A_29 : i1 to i32
    %cond3A_31 = arith.constant 0 : i32
    %cond3A_32 = arith.cmpi ne, %convert_element_type3A_30, %cond3A_31 : i32
    scf.if %cond3A_32 {
      %mul3A_33 = arith.constant 10000 : i32
      %mul3A_34 = arith.muli %arg0, %mul3A_33 : i32
      %add3A_35 = arith.constant 9984 : i32
      %add3A_36 = arith.addi %mul3A_34, %add3A_35 : i32
      %multiple_of3A_37 = tpu.assume_multiple %add3A_36, 8 : i32
      "tpu.region"() ({
        %run_scoped3A = tpu.sem_alloc : memref<!tpu.dma_semaphore, #tpu.memory_space<semaphore_mem>>
        %dma_start3A_38 = arith.constant 0 : i32
        %dma_start3A_39 = tpu.memref_slice %arg6[%multiple_of3A_37, %dma_start3A_38] : memref<20000x128xf32, #tpu.memory_space<hbm>> -> memref<16x128xf32, #tpu.memory_space<hbm>>
        %dma_start3A_40 = arith.constant 9984 : i32
        %dma_start3A_41 = arith.constant 0 : i32
        %dma_start3A_42 = tpu.memref_slice %arg14[%dma_start3A_40, %dma_start3A_41] : memref<10000x128xf32, #tpu.memory_space<vmem_shared>> -> memref<16x128xf32, #tpu.memory_space<vmem_shared>>
        tpu.enqueue_dma source(%dma_start3A_42 : memref<16x128xf32, #tpu.memory_space<vmem_shared>>) target(%dma_start3A_39 : memref<16x128xf32, #tpu.memory_space<hbm>>) target_semaphore(%run_scoped3A : memref<!tpu.dma_semaphore, #tpu.memory_space<semaphore_mem>>)
        %dma_wait3A_43 = arith.constant 0 : i32
        %dma_wait3A_44 = tpu.memref_slice %arg6[%multiple_of3A_37, %dma_wait3A_43] : memref<20000x128xf32, #tpu.memory_space<hbm>> -> memref<16x128xf32, #tpu.memory_space<hbm>>
        %dma_wait3A_45 = arith.constant 9984 : i32
        %dma_wait3A_46 = arith.constant 0 : i32
        %dma_wait3A_47 = tpu.memref_slice %arg14[%dma_wait3A_45, %dma_wait3A_46] : memref<10000x128xf32, #tpu.memory_space<vmem_shared>> -> memref<16x128xf32, #tpu.memory_space<vmem_shared>>
        tpu.wait_dma2 semaphore(%run_scoped3A : memref<!tpu.dma_semaphore, #tpu.memory_space<semaphore_mem>>) src(%dma_wait3A_47 : memref<16x128xf32, #tpu.memory_space<vmem_shared>>) dst(%dma_wait3A_44 : memref<16x128xf32, #tpu.memory_space<hbm>>)
        tpu.yield
      }) : () -> ()
    } else {
    }
    return
  }
}

#map = affine_map<(d0, d1) -> (0)>
#map1 = affine_map<(d0, d1) -> (0, 0)>
module attributes {stable_mosaic.version = 14 : i64} {
  func.func @_agg_body(%arg0: i32, %arg1: i32, %arg2: memref<320000xi32, #tpu.memory_space<hbm>>, %arg3: memref<320000xi32, #tpu.memory_space<hbm>>, %arg4: memref<10000x128xf32, #tpu.memory_space<hbm>>, %arg5: memref<640x128xf32, #tpu.memory_space<hbm>>, %arg6: memref<256x128xf32, #tpu.memory_space<hbm>>, %arg7: memref<128xi32, #tpu.memory_space<vmem>>, %arg8: memref<128xi32, #tpu.memory_space<vmem>>, %arg9: memref<16xi32, #tpu.memory_space<vmem>>, %arg10: memref<16xi32, #tpu.memory_space<vmem>>, %arg11: memref<128x128xf32, #tpu.memory_space<vmem>>, %arg12: memref<16x128xf32, #tpu.memory_space<vmem>>, %arg13: memref<!tpu.dma_semaphore, #tpu.memory_space<semaphore_mem>>, %arg14: memref<128x128xf32, #tpu.memory_space<vmem_shared>>) attributes {dimension_semantics = [#tpu.dimension_semantics<core_parallel>, #tpu.dimension_semantics<subcore_parallel>], iteration_bounds = array<i64: 2, 16>, scalar_prefetch = 0 : i64, scratch_operands = 8 : i64, tpu.core_type = #tpu.core_type<sc_vector_subcore>, window_params = [{transform_indices = #map}, {transform_indices = #map}, {transform_indices = #map1}, {transform_indices = #map1}, {transform_indices = #map1}]} {
    %mul3A = arith.constant 16 : i32
    %mul3A_0 = arith.muli %arg0, %mul3A : i32
    %add3A = arith.addi %mul3A_0, %arg1 : i32
    %mul3A_1 = arith.constant 10000 : i32
    %mul3A_2 = arith.muli %add3A, %mul3A_1 : i32
    %mul3A_3 = arith.constant 8 : i32
    %mul3A_4 = arith.muli %arg1, %mul3A_3 : i32
    "tpu.region"() ({
      %run_scoped3A = tpu.sem_alloc : memref<!tpu.dma_semaphore, #tpu.memory_space<semaphore_mem>>
      %dma_start3A_26 = arith.constant 0 : i32
      %dma_start3A_27 = tpu.memref_slice %arg14[%mul3A_4, %dma_start3A_26] : memref<128x128xf32, #tpu.memory_space<vmem_shared>> -> memref<8x128xf32, #tpu.memory_space<vmem_shared>>
      %dma_start3A_28 = arith.constant 0 : i32
      %dma_start3A_29 = arith.constant 0 : i32
      %dma_start3A_30 = tpu.memref_slice %arg5[%dma_start3A_28, %dma_start3A_29] : memref<640x128xf32, #tpu.memory_space<hbm>> -> memref<8x128xf32, #tpu.memory_space<hbm>>
      tpu.enqueue_dma source(%dma_start3A_30 : memref<8x128xf32, #tpu.memory_space<hbm>>) target(%dma_start3A_27 : memref<8x128xf32, #tpu.memory_space<vmem_shared>>) target_semaphore(%run_scoped3A : memref<!tpu.dma_semaphore, #tpu.memory_space<semaphore_mem>>)
      %dma_wait3A_31 = arith.constant 0 : i32
      %dma_wait3A_32 = tpu.memref_slice %arg14[%mul3A_4, %dma_wait3A_31] : memref<128x128xf32, #tpu.memory_space<vmem_shared>> -> memref<8x128xf32, #tpu.memory_space<vmem_shared>>
      %dma_wait3A_33 = arith.constant 0 : i32
      %dma_wait3A_34 = arith.constant 0 : i32
      %dma_wait3A_35 = tpu.memref_slice %arg5[%dma_wait3A_33, %dma_wait3A_34] : memref<640x128xf32, #tpu.memory_space<hbm>> -> memref<8x128xf32, #tpu.memory_space<hbm>>
      tpu.wait_dma2 semaphore(%run_scoped3A : memref<!tpu.dma_semaphore, #tpu.memory_space<semaphore_mem>>) src(%dma_wait3A_35 : memref<8x128xf32, #tpu.memory_space<hbm>>) dst(%dma_wait3A_32 : memref<8x128xf32, #tpu.memory_space<vmem_shared>>)
      tpu.yield
    }) : () -> ()
    %barrier3A = arith.constant 0 : index
    tpu.barrier barrier_id(%barrier3A)
    %scan3A = arith.constant 0 : i32
    %scan3A_5 = arith.constant 0 : i32
    %scan3A_6 = arith.constant 78 : i32
    %scan3A_7 = arith.addi %scan3A_5, %scan3A_6 : i32
    %scan3A_8 = arith.constant 1 : i32
    %scan3A_9 = scf.for %scan3A_26 = %scan3A_5 to %scan3A_7 step %scan3A_8 iter_args(%scan3A_27 = %scan3A) -> (i32)  : i32 {
      %mul3A_28 = arith.constant 128 : i32
      %mul3A_29 = arith.muli %scan3A_26, %mul3A_28 : i32
      %add3A_30 = arith.addi %mul3A_2, %mul3A_29 : i32
      %multiple_of3A_31 = tpu.assume_multiple %add3A_30, 16 : i32
      "tpu.region"() ({
        %run_scoped3A = tpu.sem_alloc : memref<!tpu.dma_semaphore, #tpu.memory_space<semaphore_mem>>
        %dma_start3A_39 = tpu.memref_slice %arg2[%multiple_of3A_31] : memref<320000xi32, #tpu.memory_space<hbm>> -> memref<128xi32, #tpu.memory_space<hbm>>
        %dma_start3A_40 = tpu.memref_slice %arg2[%multiple_of3A_31] : memref<320000xi32, #tpu.memory_space<hbm>> -> memref<128xi32, #tpu.memory_space<hbm>>
        tpu.enqueue_dma source(%dma_start3A_40 : memref<128xi32, #tpu.memory_space<hbm>>) target(%arg7 : memref<128xi32, #tpu.memory_space<vmem>>) target_semaphore(%run_scoped3A : memref<!tpu.dma_semaphore, #tpu.memory_space<semaphore_mem>>)
        %dma_wait3A_41 = tpu.memref_slice %arg2[%multiple_of3A_31] : memref<320000xi32, #tpu.memory_space<hbm>> -> memref<128xi32, #tpu.memory_space<hbm>>
        %dma_wait3A_42 = tpu.memref_slice %arg2[%multiple_of3A_31] : memref<320000xi32, #tpu.memory_space<hbm>> -> memref<128xi32, #tpu.memory_space<hbm>>
        tpu.wait_dma2 semaphore(%run_scoped3A : memref<!tpu.dma_semaphore, #tpu.memory_space<semaphore_mem>>) src(%dma_wait3A_42 : memref<128xi32, #tpu.memory_space<hbm>>) dst(%arg7 : memref<128xi32, #tpu.memory_space<vmem>>)
        tpu.yield
      }) : () -> ()
      %dma_start3A_32 = arith.constant 0 : i32
      %dma_start3A_33 = arith.constant 0 : i32
      %dma_start3A_34 = tpu.memref_slice %arg4[%dma_start3A_32, %dma_start3A_33] : memref<10000x128xf32, #tpu.memory_space<hbm>> -> memref<10000x128xf32, #tpu.memory_space<hbm>>
      tpu.enqueue_indirect_dma source(%dma_start3A_34 : memref<10000x128xf32, #tpu.memory_space<hbm>>) target(%arg11 : memref<128x128xf32, #tpu.memory_space<vmem>>) offsets(%arg7 : memref<128xi32, #tpu.memory_space<vmem>>) semaphore(%arg13 : memref<!tpu.dma_semaphore, #tpu.memory_space<semaphore_mem>>)
      "tpu.region"() ({
        %run_scoped3A = tpu.sem_alloc : memref<!tpu.dma_semaphore, #tpu.memory_space<semaphore_mem>>
        %dma_start3A_39 = tpu.memref_slice %arg3[%multiple_of3A_31] : memref<320000xi32, #tpu.memory_space<hbm>> -> memref<128xi32, #tpu.memory_space<hbm>>
        %dma_start3A_40 = tpu.memref_slice %arg3[%multiple_of3A_31] : memref<320000xi32, #tpu.memory_space<hbm>> -> memref<128xi32, #tpu.memory_space<hbm>>
        tpu.enqueue_dma source(%dma_start3A_40 : memref<128xi32, #tpu.memory_space<hbm>>) target(%arg8 : memref<128xi32, #tpu.memory_space<vmem>>) target_semaphore(%run_scoped3A : memref<!tpu.dma_semaphore, #tpu.memory_space<semaphore_mem>>)
        %dma_wait3A_41 = tpu.memref_slice %arg3[%multiple_of3A_31] : memref<320000xi32, #tpu.memory_space<hbm>> -> memref<128xi32, #tpu.memory_space<hbm>>
        %dma_wait3A_42 = tpu.memref_slice %arg3[%multiple_of3A_31] : memref<320000xi32, #tpu.memory_space<hbm>> -> memref<128xi32, #tpu.memory_space<hbm>>
        tpu.wait_dma2 semaphore(%run_scoped3A : memref<!tpu.dma_semaphore, #tpu.memory_space<semaphore_mem>>) src(%dma_wait3A_42 : memref<128xi32, #tpu.memory_space<hbm>>) dst(%arg8 : memref<128xi32, #tpu.memory_space<vmem>>)
        tpu.yield
      }) : () -> ()
      %dma_wait3A_35 = arith.constant 0 : i32
      %dma_wait3A_36 = arith.constant 0 : i32
      %dma_wait3A_37 = tpu.memref_slice %arg4[%dma_wait3A_35, %dma_wait3A_36] : memref<10000x128xf32, #tpu.memory_space<hbm>> -> memref<10000x128xf32, #tpu.memory_space<hbm>>
      tpu.wait_indirect_dma semaphore(%arg13 : memref<!tpu.dma_semaphore, #tpu.memory_space<semaphore_mem>>) src(%dma_wait3A_37 : memref<10000x128xf32, #tpu.memory_space<hbm>>) dst(%arg11 : memref<128x128xf32, #tpu.memory_space<vmem>>)
      "tpu.region"() ({
        %run_scoped3A = tpu.sem_alloc : memref<!tpu.dma_semaphore, #tpu.memory_space<semaphore_mem>>
        %dma_start3A_39 = arith.constant 0 : i32
        %dma_start3A_40 = arith.constant 0 : i32
        %dma_start3A_41 = tpu.memref_slice %arg14[%dma_start3A_39, %dma_start3A_40] : memref<128x128xf32, #tpu.memory_space<vmem_shared>> -> memref<128x128xf32, #tpu.memory_space<vmem_shared>>
        tpu.enqueue_indirect_dma source(%arg11 : memref<128x128xf32, #tpu.memory_space<vmem>>) target(%dma_start3A_41 : memref<128x128xf32, #tpu.memory_space<vmem_shared>>) offsets(%arg8 : memref<128xi32, #tpu.memory_space<vmem>>) semaphore(%run_scoped3A : memref<!tpu.dma_semaphore, #tpu.memory_space<semaphore_mem>>) {add = true}
        %dma_wait3A_42 = arith.constant 0 : i32
        %dma_wait3A_43 = arith.constant 0 : i32
        %dma_wait3A_44 = tpu.memref_slice %arg14[%dma_wait3A_42, %dma_wait3A_43] : memref<128x128xf32, #tpu.memory_space<vmem_shared>> -> memref<128x128xf32, #tpu.memory_space<vmem_shared>>
        tpu.wait_indirect_dma semaphore(%run_scoped3A : memref<!tpu.dma_semaphore, #tpu.memory_space<semaphore_mem>>) src(%arg11 : memref<128x128xf32, #tpu.memory_space<vmem>>) dst(%dma_wait3A_44 : memref<128x128xf32, #tpu.memory_space<vmem_shared>>)
        tpu.yield
      }) : () -> ()
      %scan3A_38 = arith.constant 0 : i32
      scf.yield %scan3A_38 : i32
    }
    %scan3A_10 = arith.constant 78 : i32
    %add3A_11 = arith.constant 9984 : i32
    %add3A_12 = arith.addi %mul3A_2, %add3A_11 : i32
    %multiple_of3A = tpu.assume_multiple %add3A_12, 16 : i32
    "tpu.region"() ({
      %run_scoped3A = tpu.sem_alloc : memref<!tpu.dma_semaphore, #tpu.memory_space<semaphore_mem>>
      %dma_start3A_26 = tpu.memref_slice %arg2[%multiple_of3A] : memref<320000xi32, #tpu.memory_space<hbm>> -> memref<16xi32, #tpu.memory_space<hbm>>
      %dma_start3A_27 = tpu.memref_slice %arg2[%multiple_of3A] : memref<320000xi32, #tpu.memory_space<hbm>> -> memref<16xi32, #tpu.memory_space<hbm>>
      tpu.enqueue_dma source(%dma_start3A_27 : memref<16xi32, #tpu.memory_space<hbm>>) target(%arg9 : memref<16xi32, #tpu.memory_space<vmem>>) target_semaphore(%run_scoped3A : memref<!tpu.dma_semaphore, #tpu.memory_space<semaphore_mem>>)
      %dma_wait3A_28 = tpu.memref_slice %arg2[%multiple_of3A] : memref<320000xi32, #tpu.memory_space<hbm>> -> memref<16xi32, #tpu.memory_space<hbm>>
      %dma_wait3A_29 = tpu.memref_slice %arg2[%multiple_of3A] : memref<320000xi32, #tpu.memory_space<hbm>> -> memref<16xi32, #tpu.memory_space<hbm>>
      tpu.wait_dma2 semaphore(%run_scoped3A : memref<!tpu.dma_semaphore, #tpu.memory_space<semaphore_mem>>) src(%dma_wait3A_29 : memref<16xi32, #tpu.memory_space<hbm>>) dst(%arg9 : memref<16xi32, #tpu.memory_space<vmem>>)
      tpu.yield
    }) : () -> ()
    %dma_start3A = arith.constant 0 : i32
    %dma_start3A_13 = arith.constant 0 : i32
    %dma_start3A_14 = tpu.memref_slice %arg4[%dma_start3A, %dma_start3A_13] : memref<10000x128xf32, #tpu.memory_space<hbm>> -> memref<10000x128xf32, #tpu.memory_space<hbm>>
    tpu.enqueue_indirect_dma source(%dma_start3A_14 : memref<10000x128xf32, #tpu.memory_space<hbm>>) target(%arg12 : memref<16x128xf32, #tpu.memory_space<vmem>>) offsets(%arg9 : memref<16xi32, #tpu.memory_space<vmem>>) semaphore(%arg13 : memref<!tpu.dma_semaphore, #tpu.memory_space<semaphore_mem>>)
    "tpu.region"() ({
      %run_scoped3A = tpu.sem_alloc : memref<!tpu.dma_semaphore, #tpu.memory_space<semaphore_mem>>
      %dma_start3A_26 = tpu.memref_slice %arg3[%multiple_of3A] : memref<320000xi32, #tpu.memory_space<hbm>> -> memref<16xi32, #tpu.memory_space<hbm>>
      %dma_start3A_27 = tpu.memref_slice %arg3[%multiple_of3A] : memref<320000xi32, #tpu.memory_space<hbm>> -> memref<16xi32, #tpu.memory_space<hbm>>
      tpu.enqueue_dma source(%dma_start3A_27 : memref<16xi32, #tpu.memory_space<hbm>>) target(%arg10 : memref<16xi32, #tpu.memory_space<vmem>>) target_semaphore(%run_scoped3A : memref<!tpu.dma_semaphore, #tpu.memory_space<semaphore_mem>>)
      %dma_wait3A_28 = tpu.memref_slice %arg3[%multiple_of3A] : memref<320000xi32, #tpu.memory_space<hbm>> -> memref<16xi32, #tpu.memory_space<hbm>>
      %dma_wait3A_29 = tpu.memref_slice %arg3[%multiple_of3A] : memref<320000xi32, #tpu.memory_space<hbm>> -> memref<16xi32, #tpu.memory_space<hbm>>
      tpu.wait_dma2 semaphore(%run_scoped3A : memref<!tpu.dma_semaphore, #tpu.memory_space<semaphore_mem>>) src(%dma_wait3A_29 : memref<16xi32, #tpu.memory_space<hbm>>) dst(%arg10 : memref<16xi32, #tpu.memory_space<vmem>>)
      tpu.yield
    }) : () -> ()
    %dma_wait3A = arith.constant 0 : i32
    %dma_wait3A_15 = arith.constant 0 : i32
    %dma_wait3A_16 = tpu.memref_slice %arg4[%dma_wait3A, %dma_wait3A_15] : memref<10000x128xf32, #tpu.memory_space<hbm>> -> memref<10000x128xf32, #tpu.memory_space<hbm>>
    tpu.wait_indirect_dma semaphore(%arg13 : memref<!tpu.dma_semaphore, #tpu.memory_space<semaphore_mem>>) src(%dma_wait3A_16 : memref<10000x128xf32, #tpu.memory_space<hbm>>) dst(%arg12 : memref<16x128xf32, #tpu.memory_space<vmem>>)
    "tpu.region"() ({
      %run_scoped3A = tpu.sem_alloc : memref<!tpu.dma_semaphore, #tpu.memory_space<semaphore_mem>>
      %dma_start3A_26 = arith.constant 0 : i32
      %dma_start3A_27 = arith.constant 0 : i32
      %dma_start3A_28 = tpu.memref_slice %arg14[%dma_start3A_26, %dma_start3A_27] : memref<128x128xf32, #tpu.memory_space<vmem_shared>> -> memref<128x128xf32, #tpu.memory_space<vmem_shared>>
      tpu.enqueue_indirect_dma source(%arg12 : memref<16x128xf32, #tpu.memory_space<vmem>>) target(%dma_start3A_28 : memref<128x128xf32, #tpu.memory_space<vmem_shared>>) offsets(%arg10 : memref<16xi32, #tpu.memory_space<vmem>>) semaphore(%run_scoped3A : memref<!tpu.dma_semaphore, #tpu.memory_space<semaphore_mem>>) {add = true}
      %dma_wait3A_29 = arith.constant 0 : i32
      %dma_wait3A_30 = arith.constant 0 : i32
      %dma_wait3A_31 = tpu.memref_slice %arg14[%dma_wait3A_29, %dma_wait3A_30] : memref<128x128xf32, #tpu.memory_space<vmem_shared>> -> memref<128x128xf32, #tpu.memory_space<vmem_shared>>
      tpu.wait_indirect_dma semaphore(%run_scoped3A : memref<!tpu.dma_semaphore, #tpu.memory_space<semaphore_mem>>) src(%arg12 : memref<16x128xf32, #tpu.memory_space<vmem>>) dst(%dma_wait3A_31 : memref<128x128xf32, #tpu.memory_space<vmem_shared>>)
      tpu.yield
    }) : () -> ()
    %barrier3A_17 = arith.constant 0 : index
    tpu.barrier barrier_id(%barrier3A_17)
    %mul3A_18 = arith.constant 128 : i32
    %mul3A_19 = arith.muli %arg0, %mul3A_18 : i32
    %mul3A_20 = arith.constant 8 : i32
    %mul3A_21 = arith.muli %arg1, %mul3A_20 : i32
    %add3A_22 = arith.addi %mul3A_19, %mul3A_21 : i32
    %multiple_of3A_23 = tpu.assume_multiple %add3A_22, 8 : i32
    %mul3A_24 = arith.constant 8 : i32
    %mul3A_25 = arith.muli %arg1, %mul3A_24 : i32
    "tpu.region"() ({
      %run_scoped3A = tpu.sem_alloc : memref<!tpu.dma_semaphore, #tpu.memory_space<semaphore_mem>>
      %dma_start3A_26 = arith.constant 0 : i32
      %dma_start3A_27 = tpu.memref_slice %arg6[%multiple_of3A_23, %dma_start3A_26] : memref<256x128xf32, #tpu.memory_space<hbm>> -> memref<8x128xf32, #tpu.memory_space<hbm>>
      %dma_start3A_28 = arith.constant 0 : i32
      %dma_start3A_29 = tpu.memref_slice %arg14[%mul3A_25, %dma_start3A_28] : memref<128x128xf32, #tpu.memory_space<vmem_shared>> -> memref<8x128xf32, #tpu.memory_space<vmem_shared>>
      tpu.enqueue_dma source(%dma_start3A_29 : memref<8x128xf32, #tpu.memory_space<vmem_shared>>) target(%dma_start3A_27 : memref<8x128xf32, #tpu.memory_space<hbm>>) target_semaphore(%run_scoped3A : memref<!tpu.dma_semaphore, #tpu.memory_space<semaphore_mem>>)
      %dma_wait3A_30 = arith.constant 0 : i32
      %dma_wait3A_31 = tpu.memref_slice %arg6[%multiple_of3A_23, %dma_wait3A_30] : memref<256x128xf32, #tpu.memory_space<hbm>> -> memref<8x128xf32, #tpu.memory_space<hbm>>
      %dma_wait3A_32 = arith.constant 0 : i32
      %dma_wait3A_33 = tpu.memref_slice %arg14[%mul3A_25, %dma_wait3A_32] : memref<128x128xf32, #tpu.memory_space<vmem_shared>> -> memref<8x128xf32, #tpu.memory_space<vmem_shared>>
      tpu.wait_dma2 semaphore(%run_scoped3A : memref<!tpu.dma_semaphore, #tpu.memory_space<semaphore_mem>>) src(%dma_wait3A_33 : memref<8x128xf32, #tpu.memory_space<vmem_shared>>) dst(%dma_wait3A_31 : memref<8x128xf32, #tpu.memory_space<hbm>>)
      tpu.yield
    }) : () -> ()
    return
  }
}

module attributes {stable_mosaic.version = 14 : i64} {
  func.func @_gidx_tc(%arg0: i32, %arg1: memref<320x1000xi32, #tpu.memory_space<vmem>>, %arg2: memref<320x1000xi32, #tpu.memory_space<vmem>>, %arg3: memref<320x1000xi32, #tpu.memory_space<vmem>>, %arg4: memref<320x1000xi32, #tpu.memory_space<vmem>>) attributes {dimension_semantics = [#tpu.dimension_semantics<arbitrary>], iteration_bounds = array<i64: 1>, scalar_prefetch = 0 : i64, scratch_operands = 0 : i64, tpu.core_type = #tpu.core_type<tc>, window_params = [{pipeline_mode = #tpu.pipeline_mode<synchronous>, transform_indices = @transform_0, window_bounds = array<i64: 320, 1000>}, {pipeline_mode = #tpu.pipeline_mode<synchronous>, transform_indices = @transform_1, window_bounds = array<i64: 320, 1000>}, {pipeline_mode = #tpu.pipeline_mode<synchronous>, transform_indices = @transform_2, window_bounds = array<i64: 320, 1000>}, {pipeline_mode = #tpu.pipeline_mode<synchronous>, transform_indices = @transform_3, window_bounds = array<i64: 320, 1000>}]} {
    %get3A = arith.constant 0 : index
    %get3A_0 = arith.constant 0 : index
    %get3A_1 = vector.load %arg1[%get3A, %get3A_0] : memref<320x1000xi32, #tpu.memory_space<vmem>>, vector<320x1000xi32>
    %iota3A = tpu.iota {dimensions = array<i32: 0>} : vector<320x1000xi32>
    %mul3A = arith.constant 1000 : i32
    %mul3A_2 = vector.broadcast %mul3A : i32 to vector<320x1000xi32>
    %mul3A_3 = arith.muli %iota3A, %mul3A_2 : vector<320x1000xi32>
    %iota3A_4 = tpu.iota {dimensions = array<i32: 1>} : vector<320x1000xi32>
    %add3A = arith.addi %mul3A_3, %iota3A_4 : vector<320x1000xi32>
    %mul3A_5 = arith.constant 10000 : i32
    %mul3A_6 = vector.broadcast %mul3A_5 : i32 to vector<320x1000xi32>
    %mul3A_7 = arith.muli %get3A_1, %mul3A_6 : vector<320x1000xi32>
    %get3A_8 = arith.constant 0 : index
    %get3A_9 = arith.constant 0 : index
    %get3A_10 = vector.load %arg2[%get3A_8, %get3A_9] : memref<320x1000xi32, #tpu.memory_space<vmem>>, vector<320x1000xi32>
    %add3A_11 = arith.addi %mul3A_7, %get3A_10 : vector<320x1000xi32>
    %swap3A = arith.constant 0 : index
    %swap3A_12 = arith.constant 0 : index
    %swap3A_13 = vector.load %arg3[%swap3A, %swap3A_12] : memref<320x1000xi32, #tpu.memory_space<vmem>>, vector<320x1000xi32>
    tpu.vector_store %arg3[%swap3A, %swap3A_12], %add3A_11 {strides = array<i32>} : memref<320x1000xi32, #tpu.memory_space<vmem>>, vector<320x1000xi32>,
    %jit3A = arith.constant 10000 : i32
    %div3A = vector.broadcast %jit3A : i32 to vector<320x1000xi32>
    %div3A_14 = arith.divsi %add3A, %div3A : vector<320x1000xi32>
    %sign3A = arith.constant 0 : i32
    %sign3A_15 = vector.broadcast %sign3A : i32 to vector<320x1000xi32>
    %sign3A_16 = arith.cmpi sgt, %add3A, %sign3A_15 : vector<320x1000xi32>
    %sign3A_17 = arith.extui %sign3A_16 : vector<320x1000xi1> to vector<320x1000xi32>
    %sign3A_18 = arith.constant 0 : i32
    %sign3A_19 = vector.broadcast %sign3A_18 : i32 to vector<320x1000xi32>
    %sign3A_20 = arith.cmpi slt, %add3A, %sign3A_19 : vector<320x1000xi32>
    %sign3A_21 = arith.extui %sign3A_20 : vector<320x1000xi1> to vector<320x1000xi32>
    %sign3A_22 = arith.subi %sign3A_17, %sign3A_21 : vector<320x1000xi32>
    %sign3A_23 = arith.constant 0 : i32
    %sign3A_24 = arith.cmpi sgt, %jit3A, %sign3A_23 : i32
    %sign3A_25 = arith.extui %sign3A_24 : i1 to i32
    %sign3A_26 = arith.constant 0 : i32
    %sign3A_27 = arith.cmpi slt, %jit3A, %sign3A_26 : i32
    %sign3A_28 = arith.extui %sign3A_27 : i1 to i32
    %sign3A_29 = arith.subi %sign3A_25, %sign3A_28 : i32
    %ne3A = vector.broadcast %sign3A_29 : i32 to vector<320x1000xi32>
    %ne3A_30 = arith.cmpi ne, %sign3A_22, %ne3A : vector<320x1000xi32>
    %rem3A = vector.broadcast %jit3A : i32 to vector<320x1000xi32>
    %rem3A_31 = arith.remsi %add3A, %rem3A : vector<320x1000xi32>
    %ne3A_32 = arith.constant 0 : i32
    %ne3A_33 = vector.broadcast %ne3A_32 : i32 to vector<320x1000xi32>
    %ne3A_34 = arith.cmpi ne, %rem3A_31, %ne3A_33 : vector<320x1000xi32>
    %and3A = arith.andi %ne3A_30, %ne3A_34 : vector<320x1000xi1>
    %sub3A = arith.constant 1 : i32
    %sub3A_35 = vector.broadcast %sub3A : i32 to vector<320x1000xi32>
    %sub3A_36 = arith.subi %div3A_14, %sub3A_35 : vector<320x1000xi32>
    %select_n3A = arith.select %and3A, %sub3A_36, %div3A_14 : vector<320x1000xi1>, vector<320x1000xi32>
    %jit3A_37 = arith.constant 16 : i32
    %eq3A = arith.constant 0 : i32
    %eq3A_38 = arith.cmpi eq, %jit3A_37, %eq3A : i32
    %jit3A_39 = arith.constant 1 : i32
    %select_n3A_40 = arith.select %eq3A_38, %jit3A_39, %jit3A_37 : i32
    %rem3A_41 = vector.broadcast %select_n3A_40 : i32 to vector<320x1000xi32>
    %rem3A_42 = arith.remsi %select_n3A, %rem3A_41 : vector<320x1000xi32>
    %ne3A_43 = arith.constant 0 : i32
    %ne3A_44 = vector.broadcast %ne3A_43 : i32 to vector<320x1000xi32>
    %ne3A_45 = arith.cmpi ne, %rem3A_42, %ne3A_44 : vector<320x1000xi32>
    %lt3A = arith.constant 0 : i32
    %lt3A_46 = vector.broadcast %lt3A : i32 to vector<320x1000xi32>
    %lt3A_47 = arith.cmpi slt, %rem3A_42, %lt3A_46 : vector<320x1000xi32>
    %lt3A_48 = arith.constant 0 : i32
    %lt3A_49 = arith.cmpi slt, %select_n3A_40, %lt3A_48 : i32
    %ne3A_50 = vector.broadcast %lt3A_49 : i1 to vector<320x1000xi1>
    %ne3A_51 = vector.broadcast %ne3A_50 : vector<320x1000xi1> to vector<320x1000xi1>
    %ne3A_52 = arith.xori %lt3A_47, %ne3A_51 : vector<320x1000xi1>
    %and3A_53 = arith.andi %ne3A_52, %ne3A_45 : vector<320x1000xi1>
    %add3A_54 = vector.broadcast %select_n3A_40 : i32 to vector<320x1000xi32>
    %add3A_55 = arith.addi %rem3A_42, %add3A_54 : vector<320x1000xi32>
    %select_n3A_56 = arith.select %and3A_53, %add3A_55, %rem3A_42 : vector<320x1000xi1>, vector<320x1000xi32>
    %mul3A_57 = arith.constant 8 : i32
    %mul3A_58 = vector.broadcast %mul3A_57 : i32 to vector<320x1000xi32>
    %mul3A_59 = arith.muli %mul3A_58, %select_n3A_56 : vector<320x1000xi32>
    %add3A_60 = arith.addi %get3A_1, %mul3A_59 : vector<320x1000xi32>
    %swap3A_61 = arith.constant 0 : index
    %swap3A_62 = arith.constant 0 : index
    %swap3A_63 = vector.load %arg4[%swap3A_61, %swap3A_62] : memref<320x1000xi32, #tpu.memory_space<vmem>>, vector<320x1000xi32>
    tpu.vector_store %arg4[%swap3A_61, %swap3A_62], %add3A_60 {strides = array<i32>} : memref<320x1000xi32, #tpu.memory_space<vmem>>, vector<320x1000xi32>,
    return
  }
  func.func @transform_0(%arg0: i32) -> (i32, i32) {
    %c0_i32 = arith.constant 0 : i32
    %c0_i32_0 = arith.constant 0 : i32
    %c0_i32_1 = arith.constant 0 : i32
    return %c0_i32, %c0_i32_0 : i32, i32
  }
  func.func @transform_1(%arg0: i32) -> (i32, i32) {
    %c0_i32 = arith.constant 0 : i32
    %c0_i32_0 = arith.constant 0 : i32
    %c0_i32_1 = arith.constant 0 : i32
    return %c0_i32, %c0_i32_0 : i32, i32
  }
  func.func @transform_2(%arg0: i32) -> (i32, i32) {
    %c0_i32 = arith.constant 0 : i32
    %c0_i32_0 = arith.constant 0 : i32
    %c0_i32_1 = arith.constant 0 : i32
    return %c0_i32, %c0_i32_0 : i32, i32
  }
  func.func @transform_3(%arg0: i32) -> (i32, i32) {
    %c0_i32 = arith.constant 0 : i32
    %c0_i32_0 = arith.constant 0 : i32
    %c0_i32_1 = arith.constant 0 : i32
    return %c0_i32, %c0_i32_0 : i32, i32
  }
}

module attributes {stable_mosaic.version = 14 : i64} {
  func.func @_wmix_tc(%arg0: memref<8x8xf32, #tpu.memory_space<vmem>>, %arg1: memref<8x16384xf32, #tpu.memory_space<vmem>>, %arg2: memref<8x16384xf32, #tpu.memory_space<vmem>>) attributes {dimension_semantics = [], scalar_prefetch = 0 : i64, scratch_operands = 0 : i64, tpu.core_type = #tpu.core_type<tc>} {
    %get3A = arith.constant 0 : index
    %get3A_0 = arith.constant 0 : index
    %get3A_1 = vector.load %arg0[%get3A, %get3A_0] : memref<8x8xf32, #tpu.memory_space<vmem>>, vector<8x8xf32>
    %get3A_2 = arith.constant 0 : index
    %get3A_3 = arith.constant 0 : index
    %get3A_4 = vector.load %arg1[%get3A_2, %get3A_3] : memref<8x16384xf32, #tpu.memory_space<vmem>>, vector<8x16384xf32>
    %dot_general3A = arith.constant dense<0.000000e+00> : vector<8x16384xf32>
    %dot_general3A_5 = tpu.matmul %get3A_1, %get3A_4, %dot_general3A {dimension_numbers = #tpu.dot_dimension_numbers<[1], [0], [0], [1], [0, 0, 1, 1], [], []>, transpose_lhs_hint = false} : vector<8x8xf32>, vector<8x16384xf32>, vector<8x16384xf32> -> vector<8x16384xf32>
    %swap3A = arith.constant 0 : index
    %swap3A_6 = arith.constant 0 : index
    %swap3A_7 = vector.load %arg2[%swap3A, %swap3A_6] : memref<8x16384xf32, #tpu.memory_space<vmem>>, vector<8x16384xf32>
    tpu.vector_store %arg2[%swap3A, %swap3A_6], %dot_general3A_5 {strides = array<i32>} : memref<8x16384xf32, #tpu.memory_space<vmem>>, vector<8x16384xf32>,
    return
  }
}

module attributes {stable_mosaic.version = 14 : i64} {
  func.func @_proj_tc(%arg0: i32, %arg1: i32, %arg2: memref<1000x128xf32, #tpu.memory_space<vmem>>, %arg3: memref<1x128x128xf32, #tpu.memory_space<vmem>>, %arg4: memref<1x1000x128xf32, #tpu.memory_space<vmem>>) attributes {dimension_semantics = [#tpu.dimension_semantics<arbitrary>, #tpu.dimension_semantics<arbitrary>], iteration_bounds = array<i64: 8, 10>, scalar_prefetch = 0 : i64, scratch_operands = 0 : i64, tpu.core_type = #tpu.core_type<tc>, window_params = [{transform_indices = @transform_0, window_bounds = array<i64: 1000, 128>}, {transform_indices = @transform_1, window_bounds = array<i64: 1, 128, 128>}, {transform_indices = @transform_2, window_bounds = array<i64: 1, 1000, 128>}]} {
    %get3A = arith.constant 0 : index
    %get3A_0 = arith.constant 0 : index
    %get3A_1 = vector.load %arg2[%get3A, %get3A_0] : memref<1000x128xf32, #tpu.memory_space<vmem>>, vector<1000x128xf32>
    %get3A_2 = arith.constant 0 : index
    %get3A_3 = arith.constant 0 : index
    %get3A_4 = arith.constant 0 : index
    %get3A_5 = vector.load %arg3[%get3A_2, %get3A_3, %get3A_4] : memref<1x128x128xf32, #tpu.memory_space<vmem>>, vector<1x128x128xf32>
    %get3A_6 = vector.shape_cast %get3A_5 : vector<1x128x128xf32> to vector<128x128xf32>
    %dot_general3A = arith.constant dense<0.000000e+00> : vector<1000x128xf32>
    %dot_general3A_7 = tpu.matmul %get3A_1, %get3A_6, %dot_general3A {dimension_numbers = #tpu.dot_dimension_numbers<[1], [0], [0], [1], [0, 0, 1, 1], [], []>, transpose_lhs_hint = false} : vector<1000x128xf32>, vector<128x128xf32>, vector<1000x128xf32> -> vector<1000x128xf32>
    %swap3A = arith.constant 0 : index
    %swap3A_8 = arith.constant 0 : index
    %swap3A_9 = arith.constant 0 : index
    %swap3A_10 = vector.load %arg4[%swap3A, %swap3A_8, %swap3A_9] : memref<1x1000x128xf32, #tpu.memory_space<vmem>>, vector<1x1000x128xf32>
    %swap3A_11 = vector.shape_cast %swap3A_10 : vector<1x1000x128xf32> to vector<1000x128xf32>
    %swap3A_12 = vector.shape_cast %dot_general3A_7 : vector<1000x128xf32> to vector<1x1000x128xf32>
    tpu.vector_store %arg4[%swap3A, %swap3A_8, %swap3A_9], %swap3A_12 {strides = array<i32>} : memref<1x1000x128xf32, #tpu.memory_space<vmem>>, vector<1x1000x128xf32>,
    return
  }
  func.func @transform_0(%arg0: i32, %arg1: i32) -> (i32, i32) {
    %c0_i32 = arith.constant 0 : i32
    %c0_i32_0 = arith.constant 0 : i32
    return %arg1, %c0_i32 : i32, i32
  }
  func.func @transform_1(%arg0: i32, %arg1: i32) -> (i32, i32, i32) {
    %c0_i32 = arith.constant 0 : i32
    %c0_i32_0 = arith.constant 0 : i32
    %c0_i32_1 = arith.constant 0 : i32
    return %arg0, %c0_i32, %c0_i32_0 : i32, i32, i32
  }
  func.func @transform_2(%arg0: i32, %arg1: i32) -> (i32, i32, i32) {
    %c0_i32 = arith.constant 0 : i32
    %c0_i32_0 = arith.constant 0 : i32
    return %arg0, %arg1, %c0_i32 : i32, i32, i32
  }
}

module attributes {stable_mosaic.version = 14 : i64} {
  func.func @_combine_tc(%arg0: i32, %arg1: memref<2x1000x128xf32, #tpu.memory_space<vmem>>, %arg2: memref<1x128xf32, #tpu.memory_space<vmem>>, %arg3: memref<1000x128xf32, #tpu.memory_space<vmem>>) attributes {dimension_semantics = [#tpu.dimension_semantics<arbitrary>], iteration_bounds = array<i64: 10>, scalar_prefetch = 0 : i64, scratch_operands = 0 : i64, tpu.core_type = #tpu.core_type<tc>, window_params = [{transform_indices = @transform_0, window_bounds = array<i64: 2, 1000, 128>}, {pipeline_mode = #tpu.pipeline_mode<synchronous>, transform_indices = @transform_1, window_bounds = array<i64: 1, 128>}, {transform_indices = @transform_2, window_bounds = array<i64: 1000, 128>}]} {
    %get3A = arith.constant 0 : index
    %get3A_0 = arith.constant 0 : index
    %get3A_1 = arith.constant 0 : index
    %get3A_2 = vector.load %arg1[%get3A, %get3A_0, %get3A_1] : memref<2x1000x128xf32, #tpu.memory_space<vmem>>, vector<1x1000x128xf32>
    %get3A_3 = vector.shape_cast %get3A_2 : vector<1x1000x128xf32> to vector<1000x128xf32>
    %get3A_4 = arith.constant 1 : index
    %get3A_5 = arith.constant 0 : index
    %get3A_6 = arith.constant 0 : index
    %get3A_7 = vector.load %arg1[%get3A_4, %get3A_5, %get3A_6] : memref<2x1000x128xf32, #tpu.memory_space<vmem>>, vector<1x1000x128xf32>
    %get3A_8 = vector.shape_cast %get3A_7 : vector<1x1000x128xf32> to vector<1000x128xf32>
    %add3A = arith.addf %get3A_3, %get3A_8 : vector<1000x128xf32>
    %get3A_9 = arith.constant 0 : index
    %get3A_10 = arith.constant 0 : index
    %get3A_11 = vector.load %arg2[%get3A_9, %get3A_10] : memref<1x128xf32, #tpu.memory_space<vmem>>, vector<1x128xf32>
    %add3A_12 = vector.broadcast %get3A_11 : vector<1x128xf32> to vector<1000x128xf32>
    %add3A_13 = arith.addf %add3A, %add3A_12 : vector<1000x128xf32>
    %max3A = arith.constant 0.000000e+00 : f32
    %max3A_14 = vector.broadcast %max3A : f32 to vector<1000x128xf32>
    %max3A_15 = arith.maximumf %add3A_13, %max3A_14 : vector<1000x128xf32>
    %swap3A = arith.constant 0 : index
    %swap3A_16 = arith.constant 0 : index
    %swap3A_17 = vector.load %arg3[%swap3A, %swap3A_16] : memref<1000x128xf32, #tpu.memory_space<vmem>>, vector<1000x128xf32>
    tpu.vector_store %arg3[%swap3A, %swap3A_16], %max3A_15 {strides = array<i32>} : memref<1000x128xf32, #tpu.memory_space<vmem>>, vector<1000x128xf32>,
    return
  }
  func.func @transform_0(%arg0: i32) -> (i32, i32, i32) {
    %c0_i32 = arith.constant 0 : i32
    %c0_i32_0 = arith.constant 0 : i32
    %c0_i32_1 = arith.constant 0 : i32
    return %c0_i32, %arg0, %c0_i32_0 : i32, i32, i32
  }
  func.func @transform_1(%arg0: i32) -> (i32, i32) {
    %c0_i32 = arith.constant 0 : i32
    %c0_i32_0 = arith.constant 0 : i32
    %c0_i32_1 = arith.constant 0 : i32
    return %c0_i32, %c0_i32_0 : i32, i32
  }
  func.func @transform_2(%arg0: i32) -> (i32, i32) {
    %c0_i32 = arith.constant 0 : i32
    %c0_i32_0 = arith.constant 0 : i32
    return %arg0, %c0_i32 : i32, i32
  }
}

module attributes {stable_mosaic.version = 14 : i64} {
  func.func @_treduce_tc(%arg0: i32, %arg1: memref<2x128x128xf32, #tpu.memory_space<vmem>>, %arg2: memref<8x128xf32, #tpu.memory_space<vmem>>) attributes {dimension_semantics = [#tpu.dimension_semantics<arbitrary>], iteration_bounds = array<i64: 1>, scalar_prefetch = 0 : i64, scratch_operands = 0 : i64, tpu.core_type = #tpu.core_type<tc>, window_params = [{pipeline_mode = #tpu.pipeline_mode<synchronous>, transform_indices = @transform_0, window_bounds = array<i64: 2, 128, 128>}, {pipeline_mode = #tpu.pipeline_mode<synchronous>, transform_indices = @transform_1, window_bounds = array<i64: 8, 128>}]} {
    %get3A = arith.constant 0 : index
    %get3A_0 = arith.constant 0 : index
    %get3A_1 = arith.constant 0 : index
    %get3A_2 = vector.load %arg1[%get3A, %get3A_0, %get3A_1] : memref<2x128x128xf32, #tpu.memory_space<vmem>>, vector<2x128x128xf32>
    %slice3A = vector.extract_strided_slice %get3A_2 {offsets = [0, 0, 0], sizes = [1, 8, 128], strides = [1, 1, 1]} : vector<2x128x128xf32> to vector<1x8x128xf32>
    %squeeze3A = vector.shape_cast %slice3A : vector<1x8x128xf32> to vector<8x128xf32>
    %slice3A_3 = vector.extract_strided_slice %get3A_2 {offsets = [1, 0, 0], sizes = [1, 8, 128], strides = [1, 1, 1]} : vector<2x128x128xf32> to vector<1x8x128xf32>
    %squeeze3A_4 = vector.shape_cast %slice3A_3 : vector<1x8x128xf32> to vector<8x128xf32>
    %add3A = arith.addf %squeeze3A, %squeeze3A_4 : vector<8x128xf32>
    %slice3A_5 = vector.extract_strided_slice %get3A_2 {offsets = [0, 8, 0], sizes = [1, 8, 128], strides = [1, 1, 1]} : vector<2x128x128xf32> to vector<1x8x128xf32>
    %squeeze3A_6 = vector.shape_cast %slice3A_5 : vector<1x8x128xf32> to vector<8x128xf32>
    %add3A_7 = arith.addf %add3A, %squeeze3A_6 : vector<8x128xf32>
    %slice3A_8 = vector.extract_strided_slice %get3A_2 {offsets = [1, 8, 0], sizes = [1, 8, 128], strides = [1, 1, 1]} : vector<2x128x128xf32> to vector<1x8x128xf32>
    %squeeze3A_9 = vector.shape_cast %slice3A_8 : vector<1x8x128xf32> to vector<8x128xf32>
    %add3A_10 = arith.addf %add3A_7, %squeeze3A_9 : vector<8x128xf32>
    %slice3A_11 = vector.extract_strided_slice %get3A_2 {offsets = [0, 16, 0], sizes = [1, 8, 128], strides = [1, 1, 1]} : vector<2x128x128xf32> to vector<1x8x128xf32>
    %squeeze3A_12 = vector.shape_cast %slice3A_11 : vector<1x8x128xf32> to vector<8x128xf32>
    %add3A_13 = arith.addf %add3A_10, %squeeze3A_12 : vector<8x128xf32>
    %slice3A_14 = vector.extract_strided_slice %get3A_2 {offsets = [1, 16, 0], sizes = [1, 8, 128], strides = [1, 1, 1]} : vector<2x128x128xf32> to vector<1x8x128xf32>
    %squeeze3A_15 = vector.shape_cast %slice3A_14 : vector<1x8x128xf32> to vector<8x128xf32>
    %add3A_16 = arith.addf %add3A_13, %squeeze3A_15 : vector<8x128xf32>
    %slice3A_17 = vector.extract_strided_slice %get3A_2 {offsets = [0, 24, 0], sizes = [1, 8, 128], strides = [1, 1, 1]} : vector<2x128x128xf32> to vector<1x8x128xf32>
    %squeeze3A_18 = vector.shape_cast %slice3A_17 : vector<1x8x128xf32> to vector<8x128xf32>
    %add3A_19 = arith.addf %add3A_16, %squeeze3A_18 : vector<8x128xf32>
    %slice3A_20 = vector.extract_strided_slice %get3A_2 {offsets = [1, 24, 0], sizes = [1, 8, 128], strides = [1, 1, 1]} : vector<2x128x128xf32> to vector<1x8x128xf32>
    %squeeze3A_21 = vector.shape_cast %slice3A_20 : vector<1x8x128xf32> to vector<8x128xf32>
    %add3A_22 = arith.addf %add3A_19, %squeeze3A_21 : vector<8x128xf32>
    %slice3A_23 = vector.extract_strided_slice %get3A_2 {offsets = [0, 32, 0], sizes = [1, 8, 128], strides = [1, 1, 1]} : vector<2x128x128xf32> to vector<1x8x128xf32>
    %squeeze3A_24 = vector.shape_cast %slice3A_23 : vector<1x8x128xf32> to vector<8x128xf32>
    %add3A_25 = arith.addf %add3A_22, %squeeze3A_24 : vector<8x128xf32>
    %slice3A_26 = vector.extract_strided_slice %get3A_2 {offsets = [1, 32, 0], sizes = [1, 8, 128], strides = [1, 1, 1]} : vector<2x128x128xf32> to vector<1x8x128xf32>
    %squeeze3A_27 = vector.shape_cast %slice3A_26 : vector<1x8x128xf32> to vector<8x128xf32>
    %add3A_28 = arith.addf %add3A_25, %squeeze3A_27 : vector<8x128xf32>
    %slice3A_29 = vector.extract_strided_slice %get3A_2 {offsets = [0, 40, 0], sizes = [1, 8, 128], strides = [1, 1, 1]} : vector<2x128x128xf32> to vector<1x8x128xf32>
    %squeeze3A_30 = vector.shape_cast %slice3A_29 : vector<1x8x128xf32> to vector<8x128xf32>
    %add3A_31 = arith.addf %add3A_28, %squeeze3A_30 : vector<8x128xf32>
    %slice3A_32 = vector.extract_strided_slice %get3A_2 {offsets = [1, 40, 0], sizes = [1, 8, 128], strides = [1, 1, 1]} : vector<2x128x128xf32> to vector<1x8x128xf32>
    %squeeze3A_33 = vector.shape_cast %slice3A_32 : vector<1x8x128xf32> to vector<8x128xf32>
    %add3A_34 = arith.addf %add3A_31, %squeeze3A_33 : vector<8x128xf32>
    %slice3A_35 = vector.extract_strided_slice %get3A_2 {offsets = [0, 48, 0], sizes = [1, 8, 128], strides = [1, 1, 1]} : vector<2x128x128xf32> to vector<1x8x128xf32>
    %squeeze3A_36 = vector.shape_cast %slice3A_35 : vector<1x8x128xf32> to vector<8x128xf32>
    %add3A_37 = arith.addf %add3A_34, %squeeze3A_36 : vector<8x128xf32>
    %slice3A_38 = vector.extract_strided_slice %get3A_2 {offsets = [1, 48, 0], sizes = [1, 8, 128], strides = [1, 1, 1]} : vector<2x128x128xf32> to vector<1x8x128xf32>
    %squeeze3A_39 = vector.shape_cast %slice3A_38 : vector<1x8x128xf32> to vector<8x128xf32>
    %add3A_40 = arith.addf %add3A_37, %squeeze3A_39 : vector<8x128xf32>
    %slice3A_41 = vector.extract_strided_slice %get3A_2 {offsets = [0, 56, 0], sizes = [1, 8, 128], strides = [1, 1, 1]} : vector<2x128x128xf32> to vector<1x8x128xf32>
    %squeeze3A_42 = vector.shape_cast %slice3A_41 : vector<1x8x128xf32> to vector<8x128xf32>
    %add3A_43 = arith.addf %add3A_40, %squeeze3A_42 : vector<8x128xf32>
    %slice3A_44 = vector.extract_strided_slice %get3A_2 {offsets = [1, 56, 0], sizes = [1, 8, 128], strides = [1, 1, 1]} : vector<2x128x128xf32> to vector<1x8x128xf32>
    %squeeze3A_45 = vector.shape_cast %slice3A_44 : vector<1x8x128xf32> to vector<8x128xf32>
    %add3A_46 = arith.addf %add3A_43, %squeeze3A_45 : vector<8x128xf32>
    %slice3A_47 = vector.extract_strided_slice %get3A_2 {offsets = [0, 64, 0], sizes = [1, 8, 128], strides = [1, 1, 1]} : vector<2x128x128xf32> to vector<1x8x128xf32>
    %squeeze3A_48 = vector.shape_cast %slice3A_47 : vector<1x8x128xf32> to vector<8x128xf32>
    %add3A_49 = arith.addf %add3A_46, %squeeze3A_48 : vector<8x128xf32>
    %slice3A_50 = vector.extract_strided_slice %get3A_2 {offsets = [1, 64, 0], sizes = [1, 8, 128], strides = [1, 1, 1]} : vector<2x128x128xf32> to vector<1x8x128xf32>
    %squeeze3A_51 = vector.shape_cast %slice3A_50 : vector<1x8x128xf32> to vector<8x128xf32>
    %add3A_52 = arith.addf %add3A_49, %squeeze3A_51 : vector<8x128xf32>
    %slice3A_53 = vector.extract_strided_slice %get3A_2 {offsets = [0, 72, 0], sizes = [1, 8, 128], strides = [1, 1, 1]} : vector<2x128x128xf32> to vector<1x8x128xf32>
    %squeeze3A_54 = vector.shape_cast %slice3A_53 : vector<1x8x128xf32> to vector<8x128xf32>
    %add3A_55 = arith.addf %add3A_52, %squeeze3A_54 : vector<8x128xf32>
    %slice3A_56 = vector.extract_strided_slice %get3A_2 {offsets = [1, 72, 0], sizes = [1, 8, 128], strides = [1, 1, 1]} : vector<2x128x128xf32> to vector<1x8x128xf32>
    %squeeze3A_57 = vector.shape_cast %slice3A_56 : vector<1x8x128xf32> to vector<8x128xf32>
    %add3A_58 = arith.addf %add3A_55, %squeeze3A_57 : vector<8x128xf32>
    %slice3A_59 = vector.extract_strided_slice %get3A_2 {offsets = [0, 80, 0], sizes = [1, 8, 128], strides = [1, 1, 1]} : vector<2x128x128xf32> to vector<1x8x128xf32>
    %squeeze3A_60 = vector.shape_cast %slice3A_59 : vector<1x8x128xf32> to vector<8x128xf32>
    %add3A_61 = arith.addf %add3A_58, %squeeze3A_60 : vector<8x128xf32>
    %slice3A_62 = vector.extract_strided_slice %get3A_2 {offsets = [1, 80, 0], sizes = [1, 8, 128], strides = [1, 1, 1]} : vector<2x128x128xf32> to vector<1x8x128xf32>
    %squeeze3A_63 = vector.shape_cast %slice3A_62 : vector<1x8x128xf32> to vector<8x128xf32>
    %add3A_64 = arith.addf %add3A_61, %squeeze3A_63 : vector<8x128xf32>
    %slice3A_65 = vector.extract_strided_slice %get3A_2 {offsets = [0, 88, 0], sizes = [1, 8, 128], strides = [1, 1, 1]} : vector<2x128x128xf32> to vector<1x8x128xf32>
    %squeeze3A_66 = vector.shape_cast %slice3A_65 : vector<1x8x128xf32> to vector<8x128xf32>
    %add3A_67 = arith.addf %add3A_64, %squeeze3A_66 : vector<8x128xf32>
    %slice3A_68 = vector.extract_strided_slice %get3A_2 {offsets = [1, 88, 0], sizes = [1, 8, 128], strides = [1, 1, 1]} : vector<2x128x128xf32> to vector<1x8x128xf32>
    %squeeze3A_69 = vector.shape_cast %slice3A_68 : vector<1x8x128xf32> to vector<8x128xf32>
    %add3A_70 = arith.addf %add3A_67, %squeeze3A_69 : vector<8x128xf32>
    %slice3A_71 = vector.extract_strided_slice %get3A_2 {offsets = [0, 96, 0], sizes = [1, 8, 128], strides = [1, 1, 1]} : vector<2x128x128xf32> to vector<1x8x128xf32>
    %squeeze3A_72 = vector.shape_cast %slice3A_71 : vector<1x8x128xf32> to vector<8x128xf32>
    %add3A_73 = arith.addf %add3A_70, %squeeze3A_72 : vector<8x128xf32>
    %slice3A_74 = vector.extract_strided_slice %get3A_2 {offsets = [1, 96, 0], sizes = [1, 8, 128], strides = [1, 1, 1]} : vector<2x128x128xf32> to vector<1x8x128xf32>
    %squeeze3A_75 = vector.shape_cast %slice3A_74 : vector<1x8x128xf32> to vector<8x128xf32>
    %add3A_76 = arith.addf %add3A_73, %squeeze3A_75 : vector<8x128xf32>
    %slice3A_77 = vector.extract_strided_slice %get3A_2 {offsets = [0, 104, 0], sizes = [1, 8, 128], strides = [1, 1, 1]} : vector<2x128x128xf32> to vector<1x8x128xf32>
    %squeeze3A_78 = vector.shape_cast %slice3A_77 : vector<1x8x128xf32> to vector<8x128xf32>
    %add3A_79 = arith.addf %add3A_76, %squeeze3A_78 : vector<8x128xf32>
    %slice3A_80 = vector.extract_strided_slice %get3A_2 {offsets = [1, 104, 0], sizes = [1, 8, 128], strides = [1, 1, 1]} : vector<2x128x128xf32> to vector<1x8x128xf32>
    %squeeze3A_81 = vector.shape_cast %slice3A_80 : vector<1x8x128xf32> to vector<8x128xf32>
    %add3A_82 = arith.addf %add3A_79, %squeeze3A_81 : vector<8x128xf32>
    %slice3A_83 = vector.extract_strided_slice %get3A_2 {offsets = [0, 112, 0], sizes = [1, 8, 128], strides = [1, 1, 1]} : vector<2x128x128xf32> to vector<1x8x128xf32>
    %squeeze3A_84 = vector.shape_cast %slice3A_83 : vector<1x8x128xf32> to vector<8x128xf32>
    %add3A_85 = arith.addf %add3A_82, %squeeze3A_84 : vector<8x128xf32>
    %slice3A_86 = vector.extract_strided_slice %get3A_2 {offsets = [1, 112, 0], sizes = [1, 8, 128], strides = [1, 1, 1]} : vector<2x128x128xf32> to vector<1x8x128xf32>
    %squeeze3A_87 = vector.shape_cast %slice3A_86 : vector<1x8x128xf32> to vector<8x128xf32>
    %add3A_88 = arith.addf %add3A_85, %squeeze3A_87 : vector<8x128xf32>
    %slice3A_89 = vector.extract_strided_slice %get3A_2 {offsets = [0, 120, 0], sizes = [1, 8, 128], strides = [1, 1, 1]} : vector<2x128x128xf32> to vector<1x8x128xf32>
    %squeeze3A_90 = vector.shape_cast %slice3A_89 : vector<1x8x128xf32> to vector<8x128xf32>
    %add3A_91 = arith.addf %add3A_88, %squeeze3A_90 : vector<8x128xf32>
    %slice3A_92 = vector.extract_strided_slice %get3A_2 {offsets = [1, 120, 0], sizes = [1, 8, 128], strides = [1, 1, 1]} : vector<2x128x128xf32> to vector<1x8x128xf32>
    %squeeze3A_93 = vector.shape_cast %slice3A_92 : vector<1x8x128xf32> to vector<8x128xf32>
    %add3A_94 = arith.addf %add3A_91, %squeeze3A_93 : vector<8x128xf32>
    %swap3A = arith.constant 0 : index
    %swap3A_95 = arith.constant 0 : index
    %swap3A_96 = vector.load %arg2[%swap3A, %swap3A_95] : memref<8x128xf32, #tpu.memory_space<vmem>>, vector<8x128xf32>
    tpu.vector_store %arg2[%swap3A, %swap3A_95], %add3A_94 {strides = array<i32>} : memref<8x128xf32, #tpu.memory_space<vmem>>, vector<8x128xf32>,
    return
  }
  func.func @transform_0(%arg0: i32) -> (i32, i32, i32) {
    %c0_i32 = arith.constant 0 : i32
    %c0_i32_0 = arith.constant 0 : i32
    %c0_i32_1 = arith.constant 0 : i32
    %c0_i32_2 = arith.constant 0 : i32
    return %c0_i32, %c0_i32_0, %c0_i32_1 : i32, i32, i32
  }
  func.func @transform_1(%arg0: i32) -> (i32, i32) {
    %c0_i32 = arith.constant 0 : i32
    %c0_i32_0 = arith.constant 0 : i32
    %c0_i32_1 = arith.constant 0 : i32
    return %c0_i32, %c0_i32_0 : i32, i32
  }
}

module attributes {stable_mosaic.version = 14 : i64} {
  func.func @_final_tc(%arg0: memref<8x128xf32, #tpu.memory_space<vmem>>, %arg1: memref<8x8xf32, #tpu.memory_space<vmem>>, %arg2: memref<1024x128xf32, #tpu.memory_space<vmem>>, %arg3: memref<1x128xf32, #tpu.memory_space<vmem>>, %arg4: memref<128x2xf32, #tpu.memory_space<vmem>>, %arg5: memref<1x2xf32, #tpu.memory_space<vmem>>, %arg6: memref<1x2xf32, #tpu.memory_space<vmem>>) attributes {dimension_semantics = [], scalar_prefetch = 0 : i64, scratch_operands = 0 : i64, tpu.core_type = #tpu.core_type<tc>} {
    %get3A = arith.constant 0 : index
    %get3A_0 = arith.constant 0 : index
    %get3A_1 = vector.load %arg1[%get3A, %get3A_0] : memref<8x8xf32, #tpu.memory_space<vmem>>, vector<8x8xf32>
    %get3A_2 = arith.constant 0 : index
    %get3A_3 = arith.constant 0 : index
    %get3A_4 = vector.load %arg0[%get3A_2, %get3A_3] : memref<8x128xf32, #tpu.memory_space<vmem>>, vector<8x128xf32>
    %dot_general3A = arith.constant dense<0.000000e+00> : vector<8x128xf32>
    %dot_general3A_5 = tpu.matmul %get3A_1, %get3A_4, %dot_general3A {dimension_numbers = #tpu.dot_dimension_numbers<[1], [0], [0], [1], [0, 0, 1, 1], [], []>, transpose_lhs_hint = false} : vector<8x8xf32>, vector<8x128xf32>, vector<8x128xf32> -> vector<8x128xf32>
    %reshape3A = vector.shape_cast %dot_general3A_5 : vector<8x128xf32> to vector<1x1024xf32>
    %get3A_6 = arith.constant 0 : index
    %get3A_7 = arith.constant 0 : index
    %get3A_8 = vector.load %arg2[%get3A_6, %get3A_7] : memref<1024x128xf32, #tpu.memory_space<vmem>>, vector<1024x128xf32>
    %dot_general3A_9 = arith.constant dense<0.000000e+00> : vector<1x128xf32>
    %dot_general3A_10 = tpu.matmul %reshape3A, %get3A_8, %dot_general3A_9 {dimension_numbers = #tpu.dot_dimension_numbers<[1], [0], [0], [1], [0, 0, 1, 1], [], []>, transpose_lhs_hint = false} : vector<1x1024xf32>, vector<1024x128xf32>, vector<1x128xf32> -> vector<1x128xf32>
    %mul3A = arith.constant 9.99999974E-5 : f32
    %mul3A_11 = vector.broadcast %mul3A : f32 to vector<1x128xf32>
    %mul3A_12 = arith.mulf %dot_general3A_10, %mul3A_11 : vector<1x128xf32>
    %get3A_13 = arith.constant 0 : index
    %get3A_14 = arith.constant 0 : index
    %get3A_15 = vector.load %arg3[%get3A_13, %get3A_14] : memref<1x128xf32, #tpu.memory_space<vmem>>, vector<1x128xf32>
    %add3A = arith.addf %mul3A_12, %get3A_15 : vector<1x128xf32>
    %get3A_16 = arith.constant 0 : index
    %get3A_17 = arith.constant 0 : index
    %get3A_18 = vector.load %arg4[%get3A_16, %get3A_17] : memref<128x2xf32, #tpu.memory_space<vmem>>, vector<128x2xf32>
    %dot_general3A_19 = arith.constant dense<0.000000e+00> : vector<1x2xf32>
    %dot_general3A_20 = tpu.matmul %add3A, %get3A_18, %dot_general3A_19 {dimension_numbers = #tpu.dot_dimension_numbers<[1], [0], [0], [1], [0, 0, 1, 1], [], []>, transpose_lhs_hint = false} : vector<1x128xf32>, vector<128x2xf32>, vector<1x2xf32> -> vector<1x2xf32>
    %get3A_21 = arith.constant 0 : index
    %get3A_22 = arith.constant 0 : index
    %get3A_23 = vector.load %arg5[%get3A_21, %get3A_22] : memref<1x2xf32, #tpu.memory_space<vmem>>, vector<1x2xf32>
    %add3A_24 = arith.addf %dot_general3A_20, %get3A_23 : vector<1x2xf32>
    %swap3A = arith.constant 0 : index
    %swap3A_25 = arith.constant 0 : index
    %swap3A_26 = vector.load %arg6[%swap3A, %swap3A_25] : memref<1x2xf32, #tpu.memory_space<vmem>>, vector<1x2xf32>
    tpu.vector_store %arg6[%swap3A, %swap3A_25], %add3A_24 {strides = array<i32>} : memref<1x2xf32, #tpu.memory_space<vmem>>, vector<1x2xf32>,
    return
  }
}

</mosaic_0001>

<sc_bundles>
// kernel: kernel.10.cloned.1.call-start
scs
__scs_entry_jumppad:
0x0: {  	(pc) =	sbr.rel $0x88, $3  }
0x1: {  	(tag) =	ssettag $0x0;
	lr =	simm.s32 $0x1  }
0x2: {  	[smem:$0x3F96] =	sst lr;
	_ =	strace $0xD0000000  }
0x3: {  	_ = 	snop  }
0x4: {  	_ = 	snop  }
0x5: {  	_ = 	snop  }
0x6: {  	_ = 	snop  }
0x7: {  	_ = 	snop  }
__scs_overlays_trampoline_lowered:
0x8: {  	[smem:$0x3FA5] =	sst s0  }
0x9: {  	[smem:$0x3FA6] =	sst s1  }
0xa: {  	[smem:$0x3FA7] =	sst s2  }
0xb: {  	[smem:$0x3FA8] =	sst s3  }
0xc: {  	[smem:$0x3FA9] =	sst s4  }
0xd: {  	[smem:$0x3FAA] =	sst s5  }
0xe: {  	[smem:$0x3FAB] =	sst s6  }
0xf: {  	[smem:$0x3FAC] =	sst s7  }
0x10: {  	[smem:$0x3FAD] =	sst s8  }
0x11: {  	[smem:$0x3FAE] =	sst s9;
	s0 =	simm.s32 @!p0 $0x0  }
0x12: {  	s1 =	sld [smem:$0x3F94];
	s0 =	simm.s32 @p0 $0x1  }
0x13: {  	[smem:$0x3FAF] =	sst s0;
	s0 =	simm.s32 @!p1 $0x0  }
0x14: {  	s2 =	sld [smem:$0x3F93];
	s0 =	simm.s32 @p1 $0x1  }
0x15: {  	[smem:$0x3FB0] =	sst s0;
	s0 =	simm.s32 @!p2 $0x0  }
0x16: {  	s3 =	sld [smem:$0x3FDB];
	s0 =	simm.s32 @p2 $0x1  }
0x17: {  	s4 =	simm.s32 $0x1BF5;
	[smem:$0x3FB2] =	sst s0  }
0x18: {  	s0 =	sld [smem:$0x3F95];
	_ =	swait.ge [sflag:s4], $0x0  }
0x19: {  	s7 =	sld [smem:$0x3F96]  }
0x1a: {  	s8 =	sadd.s32 $0xFFFFE003, lr  }
0x1b: {  	s9 =	sadd.s32 $0xFFFFFEF7, lr;
	s5 =	simm.s32 $0xFFFFFFFF;
	p2 =	slt.u32 s8, $0xFFFFF086  }
0x1c: {  	p1 =	slt.u32 s9, $0xF7A;
	s5 =	simm.s32 @!p2 $0x0  }
0x1d: {  	s5 =	simm.s32 @p1 $0x1;
	p0 =	seq.s32 s7, s2  }
0x1e: {  	s7 =	smul.u32 @!p0 $0xF7A, s2;
	p2 =	seq.s32 @!p0 s5, $0x0  }
0x1f: {  	s9 =	smul.u32 $0xF7A, s1;
	s8 =	simm.s32 @!p0 $0x1BF5;
	p2 =	por !p2, p0  }
0x20: {  	[sflag:s8] =	ssyncset.s32 @!p0 $0xFFFFF086;
	s6 =	sadd.s32 @!p0 s3, s7;
	s7 =	simm.s32 @!p0 $0x108  }
0x21: {  	s3 =	sadd.s32 s3, s9;
	s6 =	sadd.s32 @!p0 $0x88, s6;
	s7 =	simm.s32 @p2 $0x1082  }
0x22: {  	[simem:s7], [sflag:s8] =	dma.local @!p0 [hbm:s6], $0xF7A  }
0x23: {  	s9 =	sor.u32 $0xD0000000, s2;
	s6 =	simm.s32 $0x108;
	_ =	swait.ge @!p0 [sflag:s8], $0x0  }
0x24: {  	s3 =	sadd.s32 $0x88, s3;
	s6 =	simm.s32 @!p1 $0x1082;
	[sflag:s4] =	ssyncset.s32 $0xFFFFF086  }
0x25: {  	[simem:s6], [sflag:s4] =	dma.local [hbm:s3], $0xF7A  }
0x26: {  	[smem:$0x3F96] =	sst s1;
	(tag) =	ssettag s2;
	_ =	strace s9  }
0x27: {  	s1 =	sld [smem:$0x3FA6]  }
0x28: {  	s2 =	sld [smem:$0x3FA7]  }
0x29: {  	s4 =	sld [smem:$0x3FA9]  }
0x2a: {  	p0 =	seq.s32 s5, $0x0;
	s5 =	sld [smem:$0x3FAA]  }
0x2b: {  	s6 =	sld [smem:$0x3FAB]  }
0x2c: {  	s7 =	sld [smem:$0x3FAC]  }
0x2d: {  	s3 =	simm.s32 $0x108;
	s8 =	sld [smem:$0x3FAD]  }
0x2e: {  	s3 =	simm.s32 @!p0 $0x1082;
	s9 =	sld [smem:$0x3FAE]  }
0x2f: {  	lr =	sadd.s32 s0, s3;
	s0 =	sld [smem:$0x3FA5]  }
0x30: {  	s3 =	sld [smem:$0x3FA8]  }
0x31: {  	[smem:$0x3FB1] =	sst s10  }
0x32: {  	s10 =	sld [smem:$0x3FAF];
	_ =	sdelay $0x3  }
0x33: {  	p0 =	seq.s32 s10, $0x1;
	s10 =	sld [smem:$0x3FB1];
	_ =	sdelay $0x3  }
0x34: {  	[smem:$0x3FB1] =	sst s10  }
0x35: {  	s10 =	sld [smem:$0x3FB0];
	_ =	sdelay $0x3  }
0x36: {  	p1 =	seq.s32 s10, $0x1;
	s10 =	sld [smem:$0x3FB1];
	_ =	sdelay $0x3  }
0x37: {  	[smem:$0x3FB1] =	sst s10  }
0x38: {  	s10 =	sld [smem:$0x3FB2]  }
0x39: {  	_ = 	snop;
	(pc) =	sbr.ind lr, $3  }
0x3a: {  	_ = 	snop  }
0x3b: {  	_ = 	snop  }
0x3c: {  	p2 =	seq.s32 s10, $0x1;
	s10 =	sld [smem:$0x3FB1]  }
0x3d: {  	_ =	shalt  }
0x3e: {  	_ =	shalt  }
0x3f: {  	_ =	shalt  }
0x40: {  	_ =	shalt  }
0x41: {  	_ =	shalt  }
0x42: {  	_ =	shalt  }
0x43: {  	_ =	shalt  }
0x44: {  	_ =	shalt  }
0x45: {  	_ =	shalt  }
0x46: {  	_ =	shalt  }
0x47: {  	_ =	shalt  }
0x48: {  	_ =	shalt  }
0x49: {  	_ =	shalt  }
0x4a: {  	_ =	shalt  }
0x4b: {  	_ =	shalt  }
0x4c: {  	_ =	shalt  }
0x4d: {  	_ =	shalt  }
0x4e: {  	_ =	shalt  }
0x4f: {  	_ =	shalt  }
0x50: {  	_ =	shalt  }
0x51: {  	_ =	shalt  }
0x52: {  	_ =	shalt  }
0x53: {  	_ =	shalt  }
0x54: {  	_ =	shalt  }
0x55: {  	_ =	shalt  }
0x56: {  	_ =	shalt  }
0x57: {  	_ =	shalt  }
0x58: {  	_ =	shalt  }
0x59: {  	_ =	shalt  }
0x5a: {  	_ =	shalt  }
0x5b: {  	_ =	shalt  }
0x5c: {  	_ =	shalt  }
0x5d: {  	_ =	shalt  }
0x5e: {  	_ =	shalt  }
0x5f: {  	_ =	shalt  }
0x60: {  	_ =	shalt  }
0x61: {  	_ =	shalt  }
0x62: {  	_ =	shalt  }
0x63: {  	_ =	shalt  }
0x64: {  	_ =	shalt  }
0x65: {  	_ =	shalt  }
0x66: {  	_ =	shalt  }
0x67: {  	_ =	shalt  }
0x68: {  	_ =	shalt  }
0x69: {  	_ =	shalt  }
0x6a: {  	_ =	shalt  }
0x6b: {  	_ =	shalt  }
0x6c: {  	_ =	shalt  }
0x6d: {  	_ =	shalt  }
0x6e: {  	_ =	shalt  }
0x6f: {  	_ =	shalt  }
0x70: {  	_ =	shalt  }
0x71: {  	_ =	shalt  }
0x72: {  	_ =	shalt  }
0x73: {  	_ =	shalt  }
0x74: {  	_ =	shalt  }
0x75: {  	_ =	shalt  }
0x76: {  	_ =	shalt  }
0x77: {  	_ =	shalt  }
0x78: {  	_ =	shalt  }
0x79: {  	_ =	shalt  }
0x7a: {  	_ =	shalt  }
0x7b: {  	_ =	shalt  }
0x7c: {  	_ =	shalt  }
0x7d: {  	_ =	shalt  }
0x7e: {  	_ =	shalt  }
0x7f: {  	_ =	shalt  }
0x80: {  	_ =	shalt  }
0x81: {  	_ =	shalt  }
0x82: {  	_ =	shalt  }
0x83: {  	_ =	shalt  }
0x84: {  	_ =	shalt  }
0x85: {  	_ =	shalt  }
0x86: {  	_ =	shalt  }
0x87: {  	_ =	shalt  }
.Lfunc_end0:
.L_simem_size_0:
called_computation_lowered:
.L_overlay_start_0:
0x88: {  	s2 =	sld [smem:$0x3FD9]  }
0x89: {  	s3 =	sld [smem:$0x3FFE];
	_ =	sdelay $0x1  }
0x8a: {  	s1 =	srdreg.scid  }
0x8b: {  	s0 =	sand.u32 $0x1, s1  }
0x8c: {  	s16 =	sshll.u32 s0, $0xA;
	s2 =	sadd.s32 s3, s2  }
0x8d: {  	s2 =	sadd.s32 s2, s16  }
0x8e: {  	[smem:$0x3FBD] =	sst s2  }
0x8f: {  	_ = 	snop  }
0x90: {  	(tm) =	ssettm $0x1  }
0x91: {  	s17 =	sld [smem:$0x3FFB];
	_ =	sdelay $0x3  }
0x92: {  	_ =	strace s17  }
0x93: {  	s2 =	sld [smem:$0x3FFC];
	_ =	sdelay $0x3  }
0x94: {  	_ =	strace s2  }
0x95: {  	s2 =	sld [smem:$0x3FFD];
	_ =	sdelay $0x3  }
0x96: {  	_ =	strace s2  }
0x97: {  	_ =	strace $0x8FFFFFFF  }
0x98: {  	s18 =	sld [smem:$0x3FDB];
	_ =	sdelay $0x1  }
0x99: {  	s19 =	simm.s32 $_scs_section_size  }
0x9a: {  	s4 =	simm.s32 $_size__tile_overlayer_lowered;
	s5 =	simm.s32 $_tile_overlayer_lowered  }
0x9b: {  	s22 =	simm.s32 $0x1BFF;
	s21 =	sshll.u32 s5, $0x1;
	s2 =	sadd.s32 s19, s18  }
0x9c: {  	s6 =	simm.s32 $0x0;
	s20 =	sshll.u32 s4, $0x1;
	s4 =	sadd.s32 s21, s2  }
0x9d: {  	[timem:s6], [sflag:s22] =	dma.local [hbm:s4], s20  }
0x9e: {  	_ =	swait.ge [sflag:s22], s20  }
0x9f: {  	s3 =	ssub.s32 $0x0, s20;
	[sflag:s22] =	ssyncset.done $0x0  }
0xa0: {  	[sflag:s22] =	ssyncadd.s32 s3;
	_ =	sdelay $0x1  }
0xa1: {  	s23 =	simm.s32 $0x1B8B  }
0xa2: {  	_ =	swait.ge [sflag:s23], $0x1  }
0xa3: {  	[sflag:s23] =	ssyncset.done $0x0  }
0xa4: {  	s25 =	simm.s32 $0x1B8E;
	s24 =	sld [smem:$0x3FFE];
	[sflag:s23] =	ssyncadd.s32 $0xFFFFFFFF  }
0xa5: {  	s26 =	simm.s32 $execute0_lowered;
	[smem:$0x3FD2] =	sst s25  }
0xa6: {  	s4 =	sshll.u32 s26, $0x1;
	_ =	strace $0x80000046;
	[dreg:$0x1] =	wrdreg $0xFFFFFFFF  }
0xa7: {  	s28 =	simm.s32 $_size_execute0_lowered;
	s2 =	sadd.s32 s2, s4;
	[dreg:$0x0] =	wrdreg $0x0  }
0xa8: {  	s4 =	sshll.u32 s28, $0x1;
	[dreg:$0x2] =	wrdreg s2  }
0xa9: {  	[dreg:$0x3] =	wrdreg s4  }
0xaa: {  	[dreg:$0x4] =	wrdreg $0xC0  }
0xab: {  	_ =	task [dreg:s6], $0x5FFFF  }
0xac: {  	[dreg:$0x1] =	wrdreg $0xFFFFFFFF  }
0xad: {  	[dreg:$0x0] =	wrdreg $0x60  }
0xae: {  	[dreg:$0x2] =	wrdreg s24  }
0xaf: {  	[dreg:$0x3] =	wrdreg $0x4A000  }
0xb0: {  	[dreg:$0x4] =	wrdreg $0x9  }
0xb1: {  	_ =	task.clear_ibuf [dreg:s6], $0x5FFFF;
	_ =	strace $0x90000046  }
0xb2: {  	s29 =	simm.s32 $0x9;
	_ =	strace $0x80000048  }
0xb3: {  	_ =	swait.ge [sflag:s29], $0x1  }
0xb4: {  	[sflag:s29] =	ssyncadd.s32 $0xFFFFFFFF  }
0xb5: {  	_ =	strace $0x90000048  }
0xb6: {  	_ =	sfence  }
0xb7: {  	s30 =	sld [smem:$0x0];
	_ =	sdelay $0x2  }
0xb8: {  	s31 =	sshll.u32 s1, $0xD;
	s1 =	sshrl.u32 s1, $0x2  }
0xb9: {  	s3 =	sand.u32 $0x4000, s31;
	s1 =	sadd.s32 s1, s30  }
0xba: {  	s0 =	sor.u32 s3, s0;
	s1 =	sshll.u32 s1, $0x11  }
0xbb: {  	s0 =	sor.u32 s1, s0  }
0xbc: {  	s0 =	sadd.s32 $0x8F2B, s0  }
0xbd: {  	[sflag:s0] =	ssyncadd.remote.s32 $0x1  }
0xbe: {  	_ =	sfence.sel $0xFFFF  }
0xbf: {  	[dreg:$0x0] =	wrdreg $0xFFFFFFFF;
	(pc) =	sbr.abs _section_cstart, $3  }
0xc0: {  	[dreg:$0x1] =	wrdreg $0xFFFFFFFF  }
0xc1: {  	_ =	task.clear_ibuf [dreg:s6], $0x2FFFF;
	_ =	strace $0x9FFFFFFF  }
0xc2: {  	(tm) =	ssettm $0x7FFFFFFF  }
0xc3: {  	_ =	shalt  }
tec
execute0_lowered:
.L_overlay_start_1:
0x0: {  	(tag) =	ssettag $0x1  }
0x1: {  	s7 =	rddreg [dreg:$0x0]  }
0x2: {  	s1 =	rddreg [dreg:$0x1]  }
0x3: {  	s0 =	rddreg [dreg:$0x2]  }
0x4: {  	s2 =	simm.s32 $0x0;
	s3 =	srdreg.scid;
	s20 =	simm.s32 $0x1  }
0x5: {  	s21 =	simm.s32 $0x100;
	s22 =	simm.s32 $0x10;
	s23 =	simm.s32 $0x4200  }
0x6: {  	s24 =	simm.s32 $0x180;
	s25 =	simm.s32 $0x0;
	[smem:$0x7FF] =	sst s2  }
0x7: {  	s14 =	sadd.s32 $0x16000, s7;
	s8 =	sand.u32 $0x1, s3;
	s3 =	stileid.u32  }
0x8: {  	s13 =	sadd.s32 $0x2400, s7;
	s5 =	sadd.s32 $0x158600, s7;
	s11 =	smul.u32 $0x4E000, s3  }
0x9: {  	s4 =	sadd.s32 $0x1FE00, s7;
	s12 =	sadd.s32 $0x15AE00, s7;
	s26 =	smul.u32 $0x2700, s3  }
0xa: {  	s17 =	sadd.s32 $0x138000, s1;
	s7 =	sadd.s32 $0x15AD00, s7;
	s30 =	smul.u32 $0x27100, s8  }
0xb: {  	_ =	strace $0x80000047;
	s6 =	ssub.s32 $0x2, s8;
	s18 =	smul.u32 $0x138800, s8  }
0xc: {  	s9 =	sshll.u32 s8, $0x4;
	s29 =	sshll.u32 s3, $0x6;
	s19 =	smul.u32 $0x2710, s3  }
0xd: {  	p0 =	sne.s32 s3, $0xF;
	s10 =	sshrl.u32 s6, $0x1;
	s9 =	sor.u32 s3, s9  }
0xe: {  	s17 =	sshrl.u32 @!p0 s17, $0x3;
	s15 =	ssub.s32 s6, s10;
	s9 =	smul.u32 $0x2710, s9  }
0xf: {  	s28 =	sshrl.u32 s11, $0x2;
	s6 =	sor.u32 $0x1C02, s29;
	s18 =	sshrl.u32 s18, $0x3  }
0x10: {  	s10 =	sadd.s32 s26, s30;
	s19 =	sadd.s32 s19, s30;
	s16 =	sadd.s32 s28, s1  }
0x11: {  	s18 =	sadd.s32 s12, s18;
	s10 =	sadd.s32 s12, s10;
	s31 =	sshrl.u32 s19, $0x3  }
0x12: {  	s12 =	smax.u32 s15, $0x1;
	s19 =	simm.s32 $0x200;
	s9 =	sshrl.u32 s9, $0x3  }
0x13: {  	s11 =	sadd.s32 $0x27000, s18;
	s15 =	sshrl.u32 s16, $0x3;
	s9 =	sadd.s32 $0x4E0, s9  }
0x14: {  	s16 =	simm.s32 $0x2;
	s18 =	simm.s32 $0x80;
	s8 =	sadd.s32 s14, s9  }
0x15: {  	s9 =	sadd.s32 s13, s9;
	s13 =	sadd.s32 s31, s13;
	s14 =	sadd.s32 s31, s14  }
.LBB2_1:
0x16: {  	[spmem:s15], [sflag:s6] =	dma.local [hbm:s5], $0x2700  }
0x17: {  	_ =	swait.ge [sflag:s16], $0x2700  }
0x18: {  	[sflag:s16] =	ssyncset.done $0x0  }
0x19: {  	s26 =	simm.s32 @!p0 $0x2;
	[sflag:s16] =	ssyncadd.s32 $0xFFFFD900  }
0x1a: {  	[spmem:s17], [sflag:s6] =	dma.local @!p0 [hbm:s7], $0x100  }
0x1b: {  	_ =	swait.ge @!p0 [sflag:s26], $0x100  }
0x1c: {  	[sflag:s26] =	ssyncset.done @!p0 $0x0  }
0x1d: {  	[sflag:s26] =	ssyncadd.s32 @!p0 $0xFFFFFF00  }
0x1e: {  	s30 =	sadd.s32 $0x0, s14;
	[bflag:$0x0] =	sbarrier.arrive $0xFFFF  }
0x1f: {  	[tilespmem:s2], [sflag:$0x2] =	stream.linear.gather [hbm4b:s30+s2], $0x80, $0x38;
	[tilespmem:$0x18280] =	vst v63  }
0x20: {  	_ =	swait.ge [sflag:s16], $0x80  }
0x21: {  	[sflag:s16] =	ssyncset.done $0x0  }
0x22: {  	[sflag:s16] =	ssyncadd.s32 $0xFFFFFF80  }
0x23: {  	[tilespmem:s19], [sflag:$0x1] =	stream.indirect.gather [hbm4b:s4+s18], $0x80, s2, s18, $0xb8;
	[tilespmem:$0x18280] =	vst v63  }
0x24: {  	s31 =	sadd.s32 $0x0, s13  }
0x25: {  	[tilespmem:s18], [sflag:$0x2] =	stream.linear.gather [hbm4b:s31+s2], $0x80, $0x38;
	[tilespmem:$0x18280] =	vst v63  }
0x26: {  	_ =	swait.ge [sflag:s16], $0x80  }
0x27: {  	[sflag:s16] =	ssyncset.done $0x0  }
0x28: {  	[sflag:s16] =	ssyncadd.s32 $0xFFFFFF80  }
0x29: {  	_ =	swait.ge [sflag:s20], $0x4000  }
0x2a: {  	[sflag:s20] =	ssyncset.done $0x0  }
0x2b: {  	[sflag:s20] =	ssyncadd.s32 $0xFFFFC000  }
0x2c: {  	[spmem:s1] =	stream.indirect.scatter.add.f32 [tilespmem:s19], [sflag:$0x2], $0x80, s18, s18, $0xb8;
	[tilespmem:$0x18280] =	vst v63  }
0x2d: {  	_ =	swait.ge [sflag:s16], $0x4000  }
0x2e: {  	s28 =	simm.s32 $0x20;
	s26 =	simm.s32 $0x10;
	[sflag:s16] =	ssyncset.done $0x0  }
.LBB2_2:
0x2f: {  	s29 =	sadd.s32 s26, s14  }
0x30: {  	[sflag:s16] =	ssyncadd.s32 $0xFFFFC000;
	s30 =	smov.u32 s28;
	s31 =	sadd.s32 $0x10, s28  }
0x31: {  	[tilespmem:s2], [sflag:$0x2] =	stream.linear.gather [hbm4b:s29+s2], $0x80, $0x38;
	[tilespmem:$0x18280] =	vst v63  }
0x32: {  	p1 =	sne.s32 s28, $0x4D0;
	_ =	swait.ge [sflag:s16], $0x80  }
0x33: {  	[sflag:s16] =	ssyncset.done $0x0  }
0x34: {  	[sflag:s16] =	ssyncadd.s32 $0xFFFFFF80  }
0x35: {  	[tilespmem:s19], [sflag:$0x1] =	stream.indirect.gather [hbm4b:s4+s18], $0x80, s2, s18, $0xb8;
	[tilespmem:$0x18280] =	vst v63  }
0x36: {  	s28 =	sadd.s32 s26, s13;
	s26 =	smov.u32 s30  }
0x37: {  	[tilespmem:s18], [sflag:$0x2] =	stream.linear.gather [hbm4b:s28+s2], $0x80, $0x38;
	[tilespmem:$0x18280] =	vst v63  }
0x38: {  	_ =	swait.ge [sflag:s16], $0x80  }
0x39: {  	[sflag:s16] =	ssyncset.done $0x0  }
0x3a: {  	[sflag:s16] =	ssyncadd.s32 $0xFFFFFF80  }
0x3b: {  	_ =	swait.ge [sflag:s20], $0x4000  }
.Ltmp0:
0x3c: {  	[sflag:s20] =	ssyncset.done $0x0;
	(pc) =	sbr.rel @p1 .LBB2_2-.Ltmp0, $4  }
0x3d: {  	[sflag:s20] =	ssyncadd.s32 $0xFFFFC000  }
0x3e: {  	[spmem:s1] =	stream.indirect.scatter.add.f32 [tilespmem:s19], [sflag:$0x2], $0x80, s18, s18, $0xb8;
	[tilespmem:$0x18280] =	vst v63  }
0x3f: {  	_ =	swait.ge [sflag:s16], $0x4000  }
0x40: {  	s28 =	smov.u32 s31;
	[sflag:s16] =	ssyncset.done $0x0  }
0x41: {  	s28 =	sadd.s32 s26, s14;
	[sflag:s16] =	ssyncadd.s32 $0xFFFFC000  }
0x42: {  	[tilespmem:s2], [sflag:$0x2] =	stream.linear.gather [hbm4b:s28+s2], $0x80, $0x38;
	[tilespmem:$0x18280] =	vst v63  }
0x43: {  	_ =	swait.ge [sflag:s16], $0x80  }
0x44: {  	[sflag:s16] =	ssyncset.done $0x0  }
0x45: {  	[sflag:s16] =	ssyncadd.s32 $0xFFFFFF80  }
0x46: {  	[tilespmem:s19], [sflag:$0x1] =	stream.indirect.gather [hbm4b:s4+s18], $0x80, s2, s18, $0xb8;
	[tilespmem:$0x18280] =	vst v63  }
0x47: {  	s31 =	sadd.s32 s26, s13  }
0x48: {  	[tilespmem:s18], [sflag:$0x2] =	stream.linear.gather [hbm4b:s31+s2], $0x80, $0x38;
	[tilespmem:$0x18280] =	vst v63  }
0x49: {  	_ =	swait.ge [sflag:s16], $0x80  }
0x4a: {  	[sflag:s16] =	ssyncset.done $0x0  }
0x4b: {  	[sflag:s16] =	ssyncadd.s32 $0xFFFFFF80  }
0x4c: {  	_ =	swait.ge [sflag:s20], $0x4000  }
0x4d: {  	[sflag:s20] =	ssyncset.done $0x0  }
0x4e: {  	[sflag:s20] =	ssyncadd.s32 $0xFFFFC000  }
0x4f: {  	[spmem:s1] =	stream.indirect.scatter.add.f32 [tilespmem:s19], [sflag:$0x2], $0x80, s18, s18, $0xb8;
	[tilespmem:$0x18280] =	vst v63  }
0x50: {  	_ =	swait.ge [sflag:s16], $0x4000  }
0x51: {  	[sflag:s16] =	ssyncset.done $0x0  }
0x52: {  	[sflag:s16] =	ssyncadd.s32 $0xFFFFC000  }
0x53: {  	[tilespmem:s21], [sflag:$0x2] =	stream.linear.gather [hbm4b:s8+s2], $0x10, $0x38;
	[tilespmem:$0x18280] =	vst v63  }
0x54: {  	_ =	swait.ge [sflag:s16], $0x10  }
0x55: {  	[sflag:s16] =	ssyncset.done $0x0  }
0x56: {  	[sflag:s16] =	ssyncadd.s32 $0xFFFFFFF0  }
0x57: {  	[tilespmem:s23], [sflag:$0x1] =	stream.indirect.gather [hbm4b:s4+s22], $0x80, s21, s22, $0xb8;
	[tilespmem:$0x18280] =	vst v63  }
0x58: {  	_ = 	snop  }
0x59: {  	[tilespmem:s24], [sflag:$0x2] =	stream.linear.gather [hbm4b:s9+s2], $0x10, $0x38;
	[tilespmem:$0x18280] =	vst v63  }
0x5a: {  	_ =	swait.ge [sflag:s16], $0x10  }
0x5b: {  	[sflag:s16] =	ssyncset.done $0x0  }
0x5c: {  	[sflag:s16] =	ssyncadd.s32 $0xFFFFFFF0  }
0x5d: {  	_ =	swait.ge [sflag:s20], $0x800  }
0x5e: {  	[sflag:s20] =	ssyncset.done $0x0  }
0x5f: {  	[sflag:s20] =	ssyncadd.s32 $0xFFFFF800  }
0x60: {  	[spmem:s1] =	stream.indirect.scatter.add.f32 [tilespmem:s23], [sflag:$0x2], $0x80, s24, s22, $0xb8;
	[tilespmem:$0x18280] =	vst v63  }
0x61: {  	_ =	swait.ge [sflag:s16], $0x800  }
0x62: {  	[sflag:s16] =	ssyncset.done $0x0  }
0x63: {  	[sflag:s16] =	ssyncadd.s32 $0xFFFFF800  }
0x64: {  	[bflag:$0x0] =	sbarrier.arrive $0xFFFF  }
0x65: {  	[hbm:s10], [sflag:s6] =	dma.local [spmem:s15], $0x2700  }
0x66: {  	s25 =	sadd.s32 $0x1, s25;
	_ =	swait.ge [sflag:s16], $0x2700  }
0x67: {  	p1 =	sne.s32 s25, s12;
	[sflag:s16] =	ssyncset.done $0x0  }
.Ltmp1:
0x68: {  	s26 =	simm.s32 @!p0 $0x2;
	[sflag:s16] =	ssyncadd.s32 $0xFFFFD900;
	(pc) =	sbr.rel @p1 .LBB2_1-.Ltmp1, $4  }
0x69: {  	[hbm:s11], [sflag:s6] =	dma.local @!p0 [spmem:s17], $0x100  }
0x6a: {  	_ =	swait.ge @!p0 [sflag:s26], $0x100  }
0x6b: {  	[sflag:s26] =	ssyncset.done @!p0 $0x0  }
0x6c: {  	[sflag:s26] =	ssyncadd.s32 @!p0 $0xFFFFFF00  }
0x6d: {  	_ =	sfence.sel $0x180000  }
0x6e: {  	[bflag:$0x0] =	sbarrier.arrive $0xFFFF  }
0x6f: {  	p0 =	sne.s32 s3, $0x0;
	_ =	strace $0x90000047  }
0x70: {  	s0 =	sadd.s32 @!p0 $0x100000, s0;
	[bflag:$0x2] =	sbarrier.arrive $0xFFFF  }
0x71: {  	[sflag:s0] =	ssyncadd.tile.s32 @!p0 $0x1;
	_ =	shalt  }
.Lfunc_end2:
_tile_overlayer_lowered:
.L_overlay_start_2:
0x72: {  	(tag) =	ssettag $0x2  }
0x73: {  	s0 =	rddreg [dreg:$0x0];
	s2 =	stileid.u32  }
0x74: {  	s1 =	rddreg [dreg:$0x1];
	p0 =	sne.s32 s2, $0x0  }
0x75: {  	s3 =	rddreg [dreg:$0x2];
	[bflag:$0x3] =	sbarrier.arrive $0xFFFF;
	s2 =	simm.s32 @!p0 $0x1C02  }
0x76: {  	[timem:s3], [sflag:s2] =	dma.local @!p0 [hbm:s0], s1  }
0x77: {  	s0 =	simm.s32 @!p0 $0x2  }
0x78: {  	_ =	swait.ge @!p0 [sflag:s0], s1  }
0x79: {  	s1 =	ssub.s32 @!p0 $0x0, s1;
	[sflag:s0] =	ssyncset.done @!p0 $0x0  }
0x7a: {  	[sflag:s0] =	ssyncadd.s32 @!p0 s1  }
0x7b: {  	[bflag:$0x3] =	sbarrier.arrive $0xFFFF  }
0x7c: {  	_ =	shalt  }

// kernel: kernel.13.cloned.1.call-start
scs
__scs_entry_jumppad:
0x0: {  	(pc) =	sbr.rel $0x88, $3  }
0x1: {  	(tag) =	ssettag $0x0;
	lr =	simm.s32 $0x1  }
0x2: {  	[smem:$0x3F96] =	sst lr;
	_ =	strace $0xD0000000  }
0x3: {  	_ = 	snop  }
0x4: {  	_ = 	snop  }
0x5: {  	_ = 	snop  }
0x6: {  	_ = 	snop  }
0x7: {  	_ = 	snop  }
__scs_overlays_trampoline_lowered:
0x8: {  	[smem:$0x3FA5] =	sst s0  }
0x9: {  	[smem:$0x3FA6] =	sst s1  }
0xa: {  	[smem:$0x3FA7] =	sst s2  }
0xb: {  	[smem:$0x3FA8] =	sst s3  }
0xc: {  	[smem:$0x3FA9] =	sst s4  }
0xd: {  	[smem:$0x3FAA] =	sst s5  }
0xe: {  	[smem:$0x3FAB] =	sst s6  }
0xf: {  	[smem:$0x3FAC] =	sst s7  }
0x10: {  	[smem:$0x3FAD] =	sst s8  }
0x11: {  	[smem:$0x3FAE] =	sst s9;
	s0 =	simm.s32 @!p0 $0x0  }
0x12: {  	s1 =	sld [smem:$0x3F94];
	s0 =	simm.s32 @p0 $0x1  }
0x13: {  	[smem:$0x3FAF] =	sst s0;
	s0 =	simm.s32 @!p1 $0x0  }
0x14: {  	s2 =	sld [smem:$0x3F93];
	s0 =	simm.s32 @p1 $0x1  }
0x15: {  	[smem:$0x3FB0] =	sst s0;
	s0 =	simm.s32 @!p2 $0x0  }
0x16: {  	s3 =	sld [smem:$0x3FDB];
	s0 =	simm.s32 @p2 $0x1  }
0x17: {  	s4 =	simm.s32 $0x1BF5;
	[smem:$0x3FB2] =	sst s0  }
0x18: {  	s0 =	sld [smem:$0x3F95];
	_ =	swait.ge [sflag:s4], $0x0  }
0x19: {  	s7 =	sld [smem:$0x3F96]  }
0x1a: {  	s8 =	sadd.s32 $0xFFFFE003, lr  }
0x1b: {  	s9 =	sadd.s32 $0xFFFFFEF7, lr;
	s5 =	simm.s32 $0xFFFFFFFF;
	p2 =	slt.u32 s8, $0xFFFFF086  }
0x1c: {  	p1 =	slt.u32 s9, $0xF7A;
	s5 =	simm.s32 @!p2 $0x0  }
0x1d: {  	s5 =	simm.s32 @p1 $0x1;
	p0 =	seq.s32 s7, s2  }
0x1e: {  	s7 =	smul.u32 @!p0 $0xF7A, s2;
	p2 =	seq.s32 @!p0 s5, $0x0  }
0x1f: {  	s9 =	smul.u32 $0xF7A, s1;
	s8 =	simm.s32 @!p0 $0x1BF5;
	p2 =	por !p2, p0  }
0x20: {  	[sflag:s8] =	ssyncset.s32 @!p0 $0xFFFFF086;
	s6 =	sadd.s32 @!p0 s3, s7;
	s7 =	simm.s32 @!p0 $0x108  }
0x21: {  	s3 =	sadd.s32 s3, s9;
	s6 =	sadd.s32 @!p0 $0x88, s6;
	s7 =	simm.s32 @p2 $0x1082  }
0x22: {  	[simem:s7], [sflag:s8] =	dma.local @!p0 [hbm:s6], $0xF7A  }
0x23: {  	s9 =	sor.u32 $0xD0000000, s2;
	s6 =	simm.s32 $0x108;
	_ =	swait.ge @!p0 [sflag:s8], $0x0  }
0x24: {  	s3 =	sadd.s32 $0x88, s3;
	s6 =	simm.s32 @!p1 $0x1082;
	[sflag:s4] =	ssyncset.s32 $0xFFFFF086  }
0x25: {  	[simem:s6], [sflag:s4] =	dma.local [hbm:s3], $0xF7A  }
0x26: {  	[smem:$0x3F96] =	sst s1;
	(tag) =	ssettag s2;
	_ =	strace s9  }
0x27: {  	s1 =	sld [smem:$0x3FA6]  }
0x28: {  	s2 =	sld [smem:$0x3FA7]  }
0x29: {  	s4 =	sld [smem:$0x3FA9]  }
0x2a: {  	p0 =	seq.s32 s5, $0x0;
	s5 =	sld [smem:$0x3FAA]  }
0x2b: {  	s6 =	sld [smem:$0x3FAB]  }
0x2c: {  	s7 =	sld [smem:$0x3FAC]  }
0x2d: {  	s3 =	simm.s32 $0x108;
	s8 =	sld [smem:$0x3FAD]  }
0x2e: {  	s3 =	simm.s32 @!p0 $0x1082;
	s9 =	sld [smem:$0x3FAE]  }
0x2f: {  	lr =	sadd.s32 s0, s3;
	s0 =	sld [smem:$0x3FA5]  }
0x30: {  	s3 =	sld [smem:$0x3FA8]  }
0x31: {  	[smem:$0x3FB1] =	sst s10  }
0x32: {  	s10 =	sld [smem:$0x3FAF];
	_ =	sdelay $0x3  }
0x33: {  	p0 =	seq.s32 s10, $0x1;
	s10 =	sld [smem:$0x3FB1];
	_ =	sdelay $0x3  }
0x34: {  	[smem:$0x3FB1] =	sst s10  }
0x35: {  	s10 =	sld [smem:$0x3FB0];
	_ =	sdelay $0x3  }
0x36: {  	p1 =	seq.s32 s10, $0x1;
	s10 =	sld [smem:$0x3FB1];
	_ =	sdelay $0x3  }
0x37: {  	[smem:$0x3FB1] =	sst s10  }
0x38: {  	s10 =	sld [smem:$0x3FB2]  }
0x39: {  	_ = 	snop;
	(pc) =	sbr.ind lr, $3  }
0x3a: {  	_ = 	snop  }
0x3b: {  	_ = 	snop  }
0x3c: {  	p2 =	seq.s32 s10, $0x1;
	s10 =	sld [smem:$0x3FB1]  }
0x3d: {  	_ =	shalt  }
0x3e: {  	_ =	shalt  }
0x3f: {  	_ =	shalt  }
0x40: {  	_ =	shalt  }
0x41: {  	_ =	shalt  }
0x42: {  	_ =	shalt  }
0x43: {  	_ =	shalt  }
0x44: {  	_ =	shalt  }
0x45: {  	_ =	shalt  }
0x46: {  	_ =	shalt  }
0x47: {  	_ =	shalt  }
0x48: {  	_ =	shalt  }
0x49: {  	_ =	shalt  }
0x4a: {  	_ =	shalt  }
0x4b: {  	_ =	shalt  }
0x4c: {  	_ =	shalt  }
0x4d: {  	_ =	shalt  }
0x4e: {  	_ =	shalt  }
0x4f: {  	_ =	shalt  }
0x50: {  	_ =	shalt  }
0x51: {  	_ =	shalt  }
0x52: {  	_ =	shalt  }
0x53: {  	_ =	shalt  }
0x54: {  	_ =	shalt  }
0x55: {  	_ =	shalt  }
0x56: {  	_ =	shalt  }
0x57: {  	_ =	shalt  }
0x58: {  	_ =	shalt  }
0x59: {  	_ =	shalt  }
0x5a: {  	_ =	shalt  }
0x5b: {  	_ =	shalt  }
0x5c: {  	_ =	shalt  }
0x5d: {  	_ =	shalt  }
0x5e: {  	_ =	shalt  }
0x5f: {  	_ =	shalt  }
0x60: {  	_ =	shalt  }
0x61: {  	_ =	shalt  }
0x62: {  	_ =	shalt  }
0x63: {  	_ =	shalt  }
0x64: {  	_ =	shalt  }
0x65: {  	_ =	shalt  }
0x66: {  	_ =	shalt  }
0x67: {  	_ =	shalt  }
0x68: {  	_ =	shalt  }
0x69: {  	_ =	shalt  }
0x6a: {  	_ =	shalt  }
0x6b: {  	_ =	shalt  }
0x6c: {  	_ =	shalt  }
0x6d: {  	_ =	shalt  }
0x6e: {  	_ =	shalt  }
0x6f: {  	_ =	shalt  }
0x70: {  	_ =	shalt  }
0x71: {  	_ =	shalt  }
0x72: {  	_ =	shalt  }
0x73: {  	_ =	shalt  }
0x74: {  	_ =	shalt  }
0x75: {  	_ =	shalt  }
0x76: {  	_ =	shalt  }
0x77: {  	_ =	shalt  }
0x78: {  	_ =	shalt  }
0x79: {  	_ =	shalt  }
0x7a: {  	_ =	shalt  }
0x7b: {  	_ =	shalt  }
0x7c: {  	_ =	shalt  }
0x7d: {  	_ =	shalt  }
0x7e: {  	_ =	shalt  }
0x7f: {  	_ =	shalt  }
0x80: {  	_ =	shalt  }
0x81: {  	_ =	shalt  }
0x82: {  	_ =	shalt  }
0x83: {  	_ =	shalt  }
0x84: {  	_ =	shalt  }
0x85: {  	_ =	shalt  }
0x86: {  	_ =	shalt  }
0x87: {  	_ =	shalt  }
.Lfunc_end0:
.L_simem_size_0:
called_computation.1_lowered:
.L_overlay_start_0:
0x88: {  	s2 =	sld [smem:$0x3FD9]  }
0x89: {  	s3 =	sld [smem:$0x3FFE];
	_ =	sdelay $0x1  }
0x8a: {  	s1 =	srdreg.scid  }
0x8b: {  	s0 =	sand.u32 $0x1, s1  }
0x8c: {  	s16 =	sshll.u32 s0, $0xA;
	s2 =	sadd.s32 s3, s2  }
0x8d: {  	s2 =	sadd.s32 s2, s16  }
0x8e: {  	[smem:$0x3FBD] =	sst s2  }
0x8f: {  	_ = 	snop  }
0x90: {  	(tm) =	ssettm $0x1  }
0x91: {  	s17 =	sld [smem:$0x3FFB];
	_ =	sdelay $0x3  }
0x92: {  	_ =	strace s17  }
0x93: {  	s2 =	sld [smem:$0x3FFC];
	_ =	sdelay $0x3  }
0x94: {  	_ =	strace s2  }
0x95: {  	s2 =	sld [smem:$0x3FFD];
	_ =	sdelay $0x3  }
0x96: {  	_ =	strace s2  }
0x97: {  	_ =	strace $0x8FFFFFFF  }
0x98: {  	s18 =	sld [smem:$0x3FDB];
	_ =	sdelay $0x1  }
0x99: {  	s19 =	simm.s32 $_scs_section_size  }
0x9a: {  	s4 =	simm.s32 $_size__tile_overlayer_lowered;
	s5 =	simm.s32 $_tile_overlayer_lowered  }
0x9b: {  	s22 =	simm.s32 $0x1BFF;
	s21 =	sshll.u32 s5, $0x1;
	s2 =	sadd.s32 s19, s18  }
0x9c: {  	s6 =	simm.s32 $0x0;
	s20 =	sshll.u32 s4, $0x1;
	s4 =	sadd.s32 s21, s2  }
0x9d: {  	[timem:s6], [sflag:s22] =	dma.local [hbm:s4], s20  }
0x9e: {  	_ =	swait.ge [sflag:s22], s20  }
0x9f: {  	s3 =	ssub.s32 $0x0, s20;
	[sflag:s22] =	ssyncset.done $0x0  }
0xa0: {  	[sflag:s22] =	ssyncadd.s32 s3;
	_ =	sdelay $0x1  }
0xa1: {  	s23 =	simm.s32 $0x1B8B  }
0xa2: {  	_ =	swait.ge [sflag:s23], $0x1  }
0xa3: {  	[sflag:s23] =	ssyncset.done $0x0  }
0xa4: {  	s25 =	simm.s32 $0x1B8E;
	s24 =	sld [smem:$0x3FFE];
	[sflag:s23] =	ssyncadd.s32 $0xFFFFFFFF  }
0xa5: {  	s26 =	simm.s32 $execute0_lowered;
	[smem:$0x3FD2] =	sst s25  }
0xa6: {  	s4 =	sshll.u32 s26, $0x1;
	_ =	strace $0x80000049;
	[dreg:$0x1] =	wrdreg $0xFFFFFFFF  }
0xa7: {  	s28 =	simm.s32 $_size_execute0_lowered;
	s2 =	sadd.s32 s2, s4;
	[dreg:$0x0] =	wrdreg $0x0  }
0xa8: {  	s4 =	sshll.u32 s28, $0x1;
	[dreg:$0x2] =	wrdreg s2  }
0xa9: {  	[dreg:$0x3] =	wrdreg s4  }
0xaa: {  	[dreg:$0x4] =	wrdreg $0xC0  }
0xab: {  	_ =	task [dreg:s6], $0x5FFFF  }
0xac: {  	[dreg:$0x1] =	wrdreg $0xFFFFFFFF  }
0xad: {  	[dreg:$0x0] =	wrdreg $0x60  }
0xae: {  	[dreg:$0x2] =	wrdreg s24  }
0xaf: {  	[dreg:$0x3] =	wrdreg $0x4A000  }
0xb0: {  	[dreg:$0x4] =	wrdreg $0x9  }
0xb1: {  	_ =	task.clear_ibuf [dreg:s6], $0x5FFFF;
	_ =	strace $0x90000049  }
0xb2: {  	s29 =	simm.s32 $0x9;
	_ =	strace $0x8000004B  }
0xb3: {  	_ =	swait.ge [sflag:s29], $0x1  }
0xb4: {  	[sflag:s29] =	ssyncadd.s32 $0xFFFFFFFF  }
0xb5: {  	_ =	strace $0x9000004B  }
0xb6: {  	_ =	sfence  }
0xb7: {  	s30 =	sld [smem:$0x0];
	_ =	sdelay $0x2  }
0xb8: {  	s31 =	sshll.u32 s1, $0xD;
	s1 =	sshrl.u32 s1, $0x2  }
0xb9: {  	s3 =	sand.u32 $0x4000, s31;
	s1 =	sadd.s32 s1, s30  }
0xba: {  	s0 =	sor.u32 s3, s0;
	s1 =	sshll.u32 s1, $0x11  }
0xbb: {  	s0 =	sor.u32 s1, s0  }
0xbc: {  	s0 =	sadd.s32 $0x8F2B, s0  }
0xbd: {  	[sflag:s0] =	ssyncadd.remote.s32 $0x1  }
0xbe: {  	_ =	sfence.sel $0xFFFF  }
0xbf: {  	[dreg:$0x0] =	wrdreg $0xFFFFFFFF;
	(pc) =	sbr.abs _section_cstart, $3  }
0xc0: {  	[dreg:$0x1] =	wrdreg $0xFFFFFFFF  }
0xc1: {  	_ =	task.clear_ibuf [dreg:s6], $0x2FFFF;
	_ =	strace $0x9FFFFFFF  }
0xc2: {  	(tm) =	ssettm $0x7FFFFFFF  }
0xc3: {  	_ =	shalt  }
tec
execute0_lowered:
.L_overlay_start_1:
0x0: {  	(tag) =	ssettag $0x1  }
0x1: {  	s6 =	rddreg [dreg:$0x0]  }
0x2: {  	s1 =	rddreg [dreg:$0x1]  }
0x3: {  	s0 =	rddreg [dreg:$0x2];
	s2 =	simm.s32 $0x0  }
0x4: {  	s3 =	srdreg.scid;
	s18 =	simm.s32 $0x100;
	s19 =	simm.s32 $0x10  }
0x5: {  	s20 =	simm.s32 $0x4200;
	s21 =	simm.s32 $0x180;
	s22 =	simm.s32 $0x0  }
0x6: {  	[smem:$0x7FF] =	sst s2;
	s12 =	sadd.s32 $0xC200, s6;
	s11 =	sadd.s32 $0x1A9000, s6  }
0x7: {  	s8 =	sand.u32 $0x1, s3;
	s4 =	sadd.s32 $0x15AE00, s6;
	s3 =	stileid.u32  }
0x8: {  	s5 =	sadd.s32 $0x158600, s6;
	_ =	strace $0x8000004A;
	s7 =	sshll.u32 s8, $0x4  }
0x9: {  	s9 =	ssub.s32 $0x2, s8;
	s10 =	sshll.u32 s3, $0x7;
	s28 =	smul.u32 $0x27100, s8  }
0xa: {  	s25 =	sshll.u32 s3, $0xA;
	s29 =	sshll.u32 s3, $0x6;
	s16 =	smul.u32 $0x2710, s3  }
0xb: {  	s17 =	sshll.u32 s8, $0xB;
	s7 =	sor.u32 s3, s7;
	s13 =	sshrl.u32 s9, $0x1  }
0xc: {  	s10 =	sadd.s32 s10, s6;
	s14 =	sadd.s32 s25, s1;
	s6 =	sor.u32 $0x1C02, s29  }
0xd: {  	s7 =	smul.u32 $0x2710, s7;
	s13 =	ssub.s32 s9, s13;
	s10 =	sadd.s32 s17, s10  }
0xe: {  	s30 =	sadd.s32 s16, s28;
	s16 =	simm.s32 $0x200;
	s17 =	simm.s32 $0x1  }
0xf: {  	s9 =	sadd.s32 $0x2400, s10;
	s10 =	smax.u32 s13, $0x1;
	s26 =	sshrl.u32 s7, $0x3  }
0x10: {  	s31 =	sshrl.u32 s30, $0x3;
	s13 =	sshrl.u32 s14, $0x3;
	s15 =	sadd.s32 $0x4E0, s26  }
0x11: {  	s14 =	simm.s32 $0x2;
	s7 =	sadd.s32 s12, s15;
	s8 =	sadd.s32 s11, s15  }
0x12: {  	s11 =	sadd.s32 s31, s11;
	s12 =	sadd.s32 s31, s12;
	s15 =	simm.s32 $0x80  }
.LBB2_1:
0x13: {  	[spmem:s13], [sflag:s6] =	dma.local [hbm:s5], $0x80  }
0x14: {  	_ =	swait.ge [sflag:s14], $0x80  }
0x15: {  	[sflag:s14] =	ssyncset.done $0x0  }
0x16: {  	[sflag:s14] =	ssyncadd.s32 $0xFFFFFF80  }
0x17: {  	s23 =	sadd.s32 $0x0, s12;
	[bflag:$0x0] =	sbarrier.arrive $0xFFFF  }
0x18: {  	[tilespmem:s2], [sflag:$0x2] =	stream.linear.gather [hbm4b:s23+s2], $0x80, $0x38;
	[tilespmem:$0x4E00] =	vst v63  }
0x19: {  	_ =	swait.ge [sflag:s14], $0x80  }
0x1a: {  	[sflag:s14] =	ssyncset.done $0x0  }
0x1b: {  	[sflag:s14] =	ssyncadd.s32 $0xFFFFFF80  }
0x1c: {  	[tilespmem:s16], [sflag:$0x1] =	stream.indirect.gather [hbm4b:s4+s15], $0x80, s2, s15, $0xb8;
	[tilespmem:$0x4E00] =	vst v63  }
0x1d: {  	s31 =	sadd.s32 $0x0, s11  }
0x1e: {  	[tilespmem:s15], [sflag:$0x2] =	stream.linear.gather [hbm4b:s31+s2], $0x80, $0x38;
	[tilespmem:$0x4E00] =	vst v63  }
0x1f: {  	_ =	swait.ge [sflag:s14], $0x80  }
0x20: {  	[sflag:s14] =	ssyncset.done $0x0  }
0x21: {  	[sflag:s14] =	ssyncadd.s32 $0xFFFFFF80  }
0x22: {  	_ =	swait.ge [sflag:s17], $0x4000  }
0x23: {  	[sflag:s17] =	ssyncset.done $0x0  }
0x24: {  	[sflag:s17] =	ssyncadd.s32 $0xFFFFC000  }
0x25: {  	[spmem:s1] =	stream.indirect.scatter.add.f32 [tilespmem:s16], [sflag:$0x2], $0x80, s15, s15, $0xb8;
	[tilespmem:$0x4E00] =	vst v63  }
0x26: {  	_ =	swait.ge [sflag:s14], $0x4000  }
0x27: {  	s24 =	simm.s32 $0x20;
	s23 =	simm.s32 $0x10;
	[sflag:s14] =	ssyncset.done $0x0  }
.LBB2_2:
0x28: {  	s25 =	sadd.s32 s23, s12  }
0x29: {  	[sflag:s14] =	ssyncadd.s32 $0xFFFFC000;
	s26 =	smov.u32 s24;
	s28 =	sadd.s32 $0x10, s24  }
0x2a: {  	[tilespmem:s2], [sflag:$0x2] =	stream.linear.gather [hbm4b:s25+s2], $0x80, $0x38;
	[tilespmem:$0x4E00] =	vst v63  }
0x2b: {  	p0 =	sne.s32 s24, $0x4D0;
	_ =	swait.ge [sflag:s14], $0x80  }
0x2c: {  	[sflag:s14] =	ssyncset.done $0x0  }
0x2d: {  	[sflag:s14] =	ssyncadd.s32 $0xFFFFFF80  }
0x2e: {  	[tilespmem:s16], [sflag:$0x1] =	stream.indirect.gather [hbm4b:s4+s15], $0x80, s2, s15, $0xb8;
	[tilespmem:$0x4E00] =	vst v63  }
0x2f: {  	s24 =	sadd.s32 s23, s11;
	s23 =	smov.u32 s26  }
0x30: {  	[tilespmem:s15], [sflag:$0x2] =	stream.linear.gather [hbm4b:s24+s2], $0x80, $0x38;
	[tilespmem:$0x4E00] =	vst v63  }
0x31: {  	_ =	swait.ge [sflag:s14], $0x80  }
0x32: {  	[sflag:s14] =	ssyncset.done $0x0  }
0x33: {  	[sflag:s14] =	ssyncadd.s32 $0xFFFFFF80  }
0x34: {  	_ =	swait.ge [sflag:s17], $0x4000  }
.Ltmp0:
0x35: {  	[sflag:s17] =	ssyncset.done $0x0;
	(pc) =	sbr.rel @p0 .LBB2_2-.Ltmp0, $4  }
0x36: {  	[sflag:s17] =	ssyncadd.s32 $0xFFFFC000  }
0x37: {  	[spmem:s1] =	stream.indirect.scatter.add.f32 [tilespmem:s16], [sflag:$0x2], $0x80, s15, s15, $0xb8;
	[tilespmem:$0x4E00] =	vst v63  }
0x38: {  	_ =	swait.ge [sflag:s14], $0x4000  }
0x39: {  	s24 =	smov.u32 s28;
	[sflag:s14] =	ssyncset.done $0x0  }
0x3a: {  	s24 =	sadd.s32 s23, s12;
	[sflag:s14] =	ssyncadd.s32 $0xFFFFC000  }
0x3b: {  	[tilespmem:s2], [sflag:$0x2] =	stream.linear.gather [hbm4b:s24+s2], $0x80, $0x38;
	[tilespmem:$0x4E00] =	vst v63  }
0x3c: {  	_ =	swait.ge [sflag:s14], $0x80  }
0x3d: {  	[sflag:s14] =	ssyncset.done $0x0  }
0x3e: {  	[sflag:s14] =	ssyncadd.s32 $0xFFFFFF80  }
0x3f: {  	[tilespmem:s16], [sflag:$0x1] =	stream.indirect.gather [hbm4b:s4+s15], $0x80, s2, s15, $0xb8;
	[tilespmem:$0x4E00] =	vst v63  }
0x40: {  	s31 =	sadd.s32 s23, s11  }
0x41: {  	[tilespmem:s15], [sflag:$0x2] =	stream.linear.gather [hbm4b:s31+s2], $0x80, $0x38;
	[tilespmem:$0x4E00] =	vst v63  }
0x42: {  	_ =	swait.ge [sflag:s14], $0x80  }
0x43: {  	[sflag:s14] =	ssyncset.done $0x0  }
0x44: {  	[sflag:s14] =	ssyncadd.s32 $0xFFFFFF80  }
0x45: {  	_ =	swait.ge [sflag:s17], $0x4000  }
0x46: {  	[sflag:s17] =	ssyncset.done $0x0  }
0x47: {  	[sflag:s17] =	ssyncadd.s32 $0xFFFFC000  }
0x48: {  	[spmem:s1] =	stream.indirect.scatter.add.f32 [tilespmem:s16], [sflag:$0x2], $0x80, s15, s15, $0xb8;
	[tilespmem:$0x4E00] =	vst v63  }
0x49: {  	_ =	swait.ge [sflag:s14], $0x4000  }
0x4a: {  	[sflag:s14] =	ssyncset.done $0x0  }
0x4b: {  	[sflag:s14] =	ssyncadd.s32 $0xFFFFC000  }
0x4c: {  	[tilespmem:s18], [sflag:$0x2] =	stream.linear.gather [hbm4b:s7+s2], $0x10, $0x38;
	[tilespmem:$0x4E00] =	vst v63  }
0x4d: {  	_ =	swait.ge [sflag:s14], $0x10  }
0x4e: {  	[sflag:s14] =	ssyncset.done $0x0  }
0x4f: {  	[sflag:s14] =	ssyncadd.s32 $0xFFFFFFF0  }
0x50: {  	[tilespmem:s20], [sflag:$0x1] =	stream.indirect.gather [hbm4b:s4+s19], $0x80, s18, s19, $0xb8;
	[tilespmem:$0x4E00] =	vst v63  }
0x51: {  	_ = 	snop  }
0x52: {  	[tilespmem:s21], [sflag:$0x2] =	stream.linear.gather [hbm4b:s8+s2], $0x10, $0x38;
	[tilespmem:$0x4E00] =	vst v63  }
0x53: {  	_ =	swait.ge [sflag:s14], $0x10  }
0x54: {  	[sflag:s14] =	ssyncset.done $0x0  }
0x55: {  	[sflag:s14] =	ssyncadd.s32 $0xFFFFFFF0  }
0x56: {  	_ =	swait.ge [sflag:s17], $0x800  }
0x57: {  	[sflag:s17] =	ssyncset.done $0x0  }
0x58: {  	[sflag:s17] =	ssyncadd.s32 $0xFFFFF800  }
0x59: {  	[spmem:s1] =	stream.indirect.scatter.add.f32 [tilespmem:s20], [sflag:$0x2], $0x80, s21, s19, $0xb8;
	[tilespmem:$0x4E00] =	vst v63  }
0x5a: {  	_ =	swait.ge [sflag:s14], $0x800  }
0x5b: {  	s22 =	sadd.s32 $0x1, s22;
	[sflag:s14] =	ssyncset.done $0x0  }
0x5c: {  	p0 =	sne.s32 s22, s10;
	[sflag:s14] =	ssyncadd.s32 $0xFFFFF800  }
.Ltmp1:
0x5d: {  	[bflag:$0x0] =	sbarrier.arrive $0xFFFF;
	(pc) =	sbr.rel @p0 .LBB2_1-.Ltmp1, $4  }
0x5e: {  	[hbm:s9], [sflag:s6] =	dma.local [spmem:s13], $0x80  }
0x5f: {  	_ =	swait.ge [sflag:s14], $0x80  }
0x60: {  	[sflag:s14] =	ssyncset.done $0x0  }
0x61: {  	[sflag:s14] =	ssyncadd.s32 $0xFFFFFF80  }
0x62: {  	_ =	sfence.sel $0x180000  }
0x63: {  	[bflag:$0x0] =	sbarrier.arrive $0xFFFF  }
0x64: {  	p0 =	sne.s32 s3, $0x0;
	_ =	strace $0x9000004A  }
0x65: {  	s0 =	sadd.s32 @!p0 $0x100000, s0;
	[bflag:$0x2] =	sbarrier.arrive $0xFFFF  }
0x66: {  	[sflag:s0] =	ssyncadd.tile.s32 @!p0 $0x1;
	_ =	shalt  }
.Lfunc_end2:
_tile_overlayer_lowered:
.L_overlay_start_2:
0x67: {  	(tag) =	ssettag $0x2  }
0x68: {  	s0 =	rddreg [dreg:$0x0];
	s2 =	stileid.u32  }
0x69: {  	s1 =	rddreg [dreg:$0x1];
	p0 =	sne.s32 s2, $0x0  }
0x6a: {  	s3 =	rddreg [dreg:$0x2];
	[bflag:$0x3] =	sbarrier.arrive $0xFFFF;
	s2 =	simm.s32 @!p0 $0x1C02  }
0x6b: {  	[timem:s3], [sflag:s2] =	dma.local @!p0 [hbm:s0], s1  }
0x6c: {  	s0 =	simm.s32 @!p0 $0x2  }
0x6d: {  	_ =	swait.ge @!p0 [sflag:s0], s1  }
0x6e: {  	s1 =	ssub.s32 @!p0 $0x0, s1;
	[sflag:s0] =	ssyncset.done @!p0 $0x0  }
0x6f: {  	[sflag:s0] =	ssyncadd.s32 @!p0 s1  }
0x70: {  	[bflag:$0x3] =	sbarrier.arrive $0xFFFF  }
0x71: {  	_ =	shalt  }

</sc_bundles>
